<compile_context>
chip_gen: v7x
topology: tpu7x:2x2x1
jax: 0.10.2.dev20260603
libtpu: 0.0.44.dev20260713+nightly
codegen_flags: <defaults>
</compile_context>

<pallas_src>
import dataclasses
import functools

import jax
import jax.numpy as jnp
from jax import lax
from jax.experimental import pallas as pl
from jax.experimental.pallas import tpu as pltpu
from jax.experimental.pallas import tpu_sc as plsc

N = 10000
E = 320000
C = 128
EDGE_DIM = 16
SLOPE = 0.2

NC = 2
NS = 16
NW = NC * NS
EPT = E // NW
CHUNK = 80
NCHUNK = EPT // CHUNK
BLKCH = 25
NBLKE = NCHUNK // BLKCH
EPB = BLKCH * CHUNK
RPS = 624
ZROWS = 16

NBLK = 1000
EBLK = 8000


def _node_tc(x_ref, wl_ref, att_ref, xh_ref, ai_ref, aj_ref, mxa_ref):
    xh = jnp.dot(x_ref[...], wl_ref[...], preferred_element_type=jnp.float32)
    xh_ref[...] = xh
    att1 = att_ref[0, 0:C]
    att2 = att_ref[0, C:2 * C]
    a_i = jnp.sum(xh * att1[None, :], axis=1, keepdims=True)
    a_j = jnp.sum(xh * att2[None, :], axis=1, keepdims=True)
    ai_ref[...] = a_i
    aj_ref[...] = a_j

    @pl.when(pl.program_id(0) == 0)
    def _():
        mxa_ref[...] = jnp.full((1, 2), -jnp.inf, jnp.float32)

    cur = jnp.concatenate(
        [jnp.max(a_i).reshape(1, 1), jnp.max(a_j).reshape(1, 1)], axis=1)
    mxa_ref[...] = jnp.maximum(mxa_ref[...], cur)


def _edge_tc(ea_ref, we_ref, att_ref, b_ref, mxb_ref):
    att3 = att_ref[0, 2 * C:3 * C]
    wa = jnp.sum(we_ref[...] * att3[None, :], axis=1)
    b = jnp.sum(ea_ref[...] * wa[None, :], axis=1, keepdims=True)
    b_ref[...] = b

    @pl.when(pl.program_id(0) == 0)
    def _():
        mxb_ref[...] = jnp.full((1, 1), -jnp.inf, jnp.float32)

    mxb_ref[...] = jnp.maximum(mxb_ref[...], jnp.max(b).reshape(1, 1))


def _ssum_tc(s_ref, o_ref):
    o_ref[...] = jnp.sum(s_ref[:, 0, :], axis=0, keepdims=True)


def _final_tc(v_ref, s_ref, bias_ref, o_ref):
    v = v_ref[0] + v_ref[1]
    o_ref[...] = v / (s_ref[...] + 1e-16) + bias_ref[...]


def _exp_tc(al_ref, mxa_ref, mxb_ref, w_ref):
    m_raw = mxa_ref[0, 0] + mxa_ref[0, 1] + mxb_ref[0, 0]
    m = jnp.where(m_raw >= 0, m_raw, m_raw * SLOPE)
    w_ref[...] = jnp.exp(al_ref[...] - m)


def _sc_compiler_params():
  cp = pltpu.CompilerParams()
  if "needs_layout_passes" in pltpu.CompilerParams.__dataclass_fields__:
    cp = dataclasses.replace(cp, needs_layout_passes=False)
  return cp


@functools.cache
def _make_sc_alpha():
  mesh = plsc.VectorSubcoreMesh(core_axis_name="c", subcore_axis_name="s")

  @functools.partial(
    pl.kernel,
    compiler_params=_sc_compiler_params(),
    out_type=jax.ShapeDtypeStruct((NW, NBLKE, 1, EPB), jnp.float32),
    mesh=mesh,
    scratch_types=[
        pltpu.VMEM((N,), jnp.float32),
        pltpu.VMEM((N,), jnp.float32),
        pltpu.VMEM((1, EPB), jnp.int32),
        pltpu.VMEM((1, EPB), jnp.int32),
        pltpu.VMEM((1, EPB), jnp.float32),
        pltpu.VMEM((1, EPB), jnp.float32),
        pltpu.VMEM((16,), jnp.float32),
    ],
  )
  def _sc_alpha(row_hbm, col_hbm, b_hbm, ai_hbm, aj_hbm, w_hbm,
                ai_v, aj_v, rowb, colb, bb, wb, mx_v):
    c = lax.axis_index("c")
    s = lax.axis_index("s")
    g = c * NS + s

    zeros = jnp.zeros((16,), jnp.int32)
    lanes16 = lax.iota(jnp.int32, 16)

    ACP = 2000

    @pl.loop(0, N // ACP)
    def _(k):
        pltpu.sync_copy(ai_hbm.at[pl.ds(k * ACP, ACP)],
                        ai_v.at[pl.ds(k * ACP, ACP)])
        pltpu.sync_copy(aj_hbm.at[pl.ds(k * ACP, ACP)],
                        aj_v.at[pl.ds(k * ACP, ACP)])

    @pl.loop(0, NBLKE)
    def _(blk):
        pltpu.sync_copy(row_hbm.at[g, blk], rowb)
        pltpu.sync_copy(col_hbm.at[g, blk], colb)
        pltpu.sync_copy(b_hbm.at[g, blk], bb)

        @pl.loop(0, EPB // 16)
        def _(u):
            pos = lanes16 + u * 16
            zr = jnp.zeros((16,), jnp.int32)
            ir = plsc.load_gather(rowb, [zr, pos])
            ic = plsc.load_gather(colb, [zr, pos])
            va = plsc.load_gather(ai_v, [ir])
            vb = plsc.load_gather(aj_v, [ic])
            al = va + vb + plsc.load_gather(bb, [zr, pos])
            al = jnp.where(al >= 0, al, al * SLOPE)
            plsc.store_scatter(wb, [zr, pos], al)

        pltpu.sync_copy(wb, w_hbm.at[g, blk])

  return _sc_alpha


@functools.cache
def _make_sc_agg():
  mesh = plsc.VectorSubcoreMesh(core_axis_name="c", subcore_axis_name="s")

  @functools.partial(
    pl.kernel,
    compiler_params=_sc_compiler_params(),
    out_type=[
        jax.ShapeDtypeStruct((NC, N, C), jnp.float32),
        jax.ShapeDtypeStruct((NW, 1, N), jnp.float32),
    ],
    mesh=mesh,
    scratch_types=[
        pltpu.VMEM_SHARED((N, C), jnp.float32),
        pltpu.VMEM((1, N), jnp.float32),
        pltpu.VMEM((BLKCH, CHUNK), jnp.int32),
        pltpu.VMEM((BLKCH, CHUNK), jnp.int32),
        pltpu.VMEM((1, EPB), jnp.int32),
        pltpu.VMEM((1, EPB), jnp.float32),
        pltpu.VMEM((CHUNK, C), jnp.float32),
        pltpu.VMEM((ZROWS, C), jnp.float32),
        pltpu.VMEM((16,), jnp.int32),
        pltpu.SemaphoreType.DMA,
    ],
  )
  def _sc_agg(row_hbm, rowf_hbm, col_hbm, w_hbm, xh_hbm,
              vout_hbm, sout_hbm,
              accv, s_acc, rowb, colb, rowf, wvb, grows, zbv, idx_v, sem):
    c = lax.axis_index("c")
    s = lax.axis_index("s")
    g = c * NS + s

    zv16 = jnp.zeros((16,), jnp.float32)
    lanes16 = lax.iota(jnp.int32, 16)

    @pl.loop(0, ZROWS)
    def _(i):
        for j in range(C // 16):
            zbv[i, pl.ds(j * 16, 16)] = zv16

    zeros16 = jnp.zeros((16,), jnp.int32)

    @pl.loop(0, N // 16)
    def _(i):
        plsc.store_scatter(s_acc, [zeros16, lanes16 + i * 16], zv16)

    def _zero_rows(base, nrows):
        @pl.loop(0, nrows // ZROWS)
        def _(k):
            idx_v[...] = lanes16 + (base + k * ZROWS)
            pltpu.sync_copy(zbv, accv.at[idx_v])

    _zero_rows(s * RPS, RPS)

    @pl.when(s == NS - 1)
    def _():
        _zero_rows(NS * RPS, N - NS * RPS)

    plsc.subcore_barrier()

    @pl.loop(0, NBLKE)
    def _(blk):
        pltpu.sync_copy(row_hbm.at[g, blk], rowb)
        pltpu.sync_copy(rowf_hbm.at[g, blk], rowf)
        pltpu.sync_copy(col_hbm.at[g, blk], colb)
        pltpu.sync_copy(w_hbm.at[g, blk], wvb)

        @pl.loop(0, EPB // 16)
        def _(u):
            pos = lanes16 + u * 16
            wv = plsc.load_gather(wvb, [zeros16, pos])
            ir = plsc.load_gather(rowf, [zeros16, pos])
            plsc.addupdate_scatter(s_acc, [zeros16, ir], wv)

        @pl.loop(0, BLKCH)
        def _(t):
            pltpu.async_copy(xh_hbm.at[colb.at[t]], grows, sem).wait()

            @pl.loop(0, CHUNK)
            def _(e):
                eidx = jnp.zeros((16,), jnp.int32) + (t * CHUNK + e)
                wsplat = plsc.load_gather(wvb, [zeros16, eidx])
                for j in range(C // 16):
                    grows[e, pl.ds(j * 16, 16)] = (
                        grows[e, pl.ds(j * 16, 16)] * wsplat)

            pltpu.sync_copy(grows, accv.at[rowb.at[t]], add=True)

    plsc.subcore_barrier()

    def _write_rows(base, nrows):
        @pl.loop(0, nrows // ZROWS)
        def _(k):
            b0 = base + k * ZROWS
            idx_v[...] = lanes16 + b0
            pltpu.sync_copy(accv.at[idx_v], zbv)
            pltpu.sync_copy(zbv, vout_hbm.at[c, pl.ds(b0, ZROWS)])

    _write_rows(s * RPS, RPS)

    @pl.when(s == NS - 1)
    def _():
        _write_rows(NS * RPS, N - NS * RPS)

    pltpu.sync_copy(s_acc, sout_hbm.at[g])

  return _sc_agg


@jax.jit
def kernel(x, edge_index, edge_attr, Wl, We, att, bias):
    att2d = att.reshape(1, 3 * C)

    xh, a_i, a_j, mxa = pl.pallas_call(
        _node_tc,
        grid=(N // NBLK,),
        in_specs=[
            pl.BlockSpec((NBLK, C), lambda i: (i, 0)),
            pl.BlockSpec((C, C), lambda i: (0, 0)),
            pl.BlockSpec((1, 3 * C), lambda i: (0, 0)),
        ],
        out_specs=[
            pl.BlockSpec((NBLK, C), lambda i: (i, 0)),
            pl.BlockSpec((NBLK, 1), lambda i: (i, 0)),
            pl.BlockSpec((NBLK, 1), lambda i: (i, 0)),
            pl.BlockSpec((1, 2), lambda i: (0, 0)),
        ],
        out_shape=[
            jax.ShapeDtypeStruct((N, C), jnp.float32),
            jax.ShapeDtypeStruct((N, 1), jnp.float32),
            jax.ShapeDtypeStruct((N, 1), jnp.float32),
            jax.ShapeDtypeStruct((1, 2), jnp.float32),
        ],
    )(x, Wl, att2d)

    b, mxb = pl.pallas_call(
        _edge_tc,
        grid=(E // EBLK,),
        in_specs=[
            pl.BlockSpec((EBLK, EDGE_DIM), lambda i: (i, 0)),
            pl.BlockSpec((EDGE_DIM, C), lambda i: (0, 0)),
            pl.BlockSpec((1, 3 * C), lambda i: (0, 0)),
        ],
        out_specs=[
            pl.BlockSpec((EBLK, 1), lambda i: (i, 0)),
            pl.BlockSpec((1, 1), lambda i: (0, 0)),
        ],
        out_shape=[
            jax.ShapeDtypeStruct((E, 1), jnp.float32),
            jax.ShapeDtypeStruct((1, 1), jnp.float32),
        ],
    )(edge_attr, We, att2d)

    row4 = edge_index[0].reshape(NW, NBLKE, BLKCH, CHUNK)
    col4 = edge_index[1].reshape(NW, NBLKE, BLKCH, CHUNK)
    row3 = edge_index[0].reshape(NW, NBLKE, 1, EPB)
    col3 = edge_index[1].reshape(NW, NBLKE, 1, EPB)
    b3 = b.reshape(NW, NBLKE, 1, EPB)
    al3 = _make_sc_alpha()(
        row3, col3, b3, a_i.reshape(N), a_j.reshape(N))

    w2d = pl.pallas_call(
        _exp_tc,
        grid=(1,),
        in_specs=[
            pl.BlockSpec((E // 128, 128), lambda i: (0, 0)),
            pl.BlockSpec((1, 2), lambda i: (0, 0)),
            pl.BlockSpec((1, 1), lambda i: (0, 0)),
        ],
        out_specs=pl.BlockSpec((E // 128, 128), lambda i: (0, 0)),
        out_shape=jax.ShapeDtypeStruct((E // 128, 128), jnp.float32),
    )(al3.reshape(E // 128, 128), mxa, mxb)

    w3 = w2d.reshape(NW, NBLKE, 1, EPB)
    vout, sout = _make_sc_agg()(row4, row3, col4, w3, xh)

    ssum = pl.pallas_call(
        _ssum_tc,
        grid=(1,),
        in_specs=[pl.BlockSpec((NW, 1, N), lambda i: (0, 0, 0))],
        out_specs=pl.BlockSpec((1, N), lambda i: (0, 0)),
        out_shape=jax.ShapeDtypeStruct((1, N), jnp.float32),
    )(sout)

    out = pl.pallas_call(
        _final_tc,
        grid=(N // NBLK,),
        in_specs=[
            pl.BlockSpec((2, NBLK, C), lambda i: (0, i, 0)),
            pl.BlockSpec((NBLK, 1), lambda i: (i, 0)),
            pl.BlockSpec((1, C), lambda i: (0, 0)),
        ],
        out_specs=pl.BlockSpec((NBLK, C), lambda i: (i, 0)),
        out_shape=jax.ShapeDtypeStruct((N, C), jnp.float32),
    )(vout, ssum.reshape(N, 1), bias.reshape(1, C))

    return out

# --- scband reference (transcript-rebuilt; emitter-appended) ---
"""Pipeline reference for scband-egatconv-8607114461242 (READ-ONLY COPY).

The authoritative reference and input builder live on the scoring server;
editing this copy changes nothing except your own understanding.
"""

import jax, jax.numpy as jnp
import numpy as np

N = 10000
E = 320000
IN_CH = 128
OUT_CH = 128
HEADS = 1
EDGE_DIM = 16
SLOPE = 0.2


def setup_inputs(seed: int = 0) -> dict:
    key = jax.random.key(seed)
    ks = jax.random.split(key, 6)
    x = jax.random.normal(ks[0], (N, IN_CH), dtype=jnp.float32)
    edge_index = jax.random.randint(ks[1], (2, E), 0, N, dtype=jnp.int32)
    edge_attr = jax.random.normal(ks[2], (E, EDGE_DIM), dtype=jnp.float32)
    # learned params (xavier-uniform-like scale)
    Wl = jax.random.normal(ks[3], (IN_CH, HEADS * OUT_CH), dtype=jnp.float32) * float(np.sqrt(2.0 / (IN_CH + HEADS * OUT_CH)))
    We = jax.random.normal(ks[4], (EDGE_DIM, HEADS * OUT_CH), dtype=jnp.float32) * float(np.sqrt(2.0 / (EDGE_DIM + HEADS * OUT_CH)))
    att = jax.random.normal(ks[5], (1, HEADS, 3 * OUT_CH), dtype=jnp.float32) * float(np.sqrt(2.0 / (1 + 3 * OUT_CH)))
    bias = jnp.zeros((OUT_CH,), dtype=jnp.float32)
    return {"x": x, "edge_index": edge_index, "edge_attr": edge_attr, "Wl": Wl, "We": We, "att": att, "bias": bias}


def reference(x, edge_index, edge_attr, Wl, We, att, bias):
    xh = (x @ Wl).reshape(-1, HEADS, OUT_CH)              # [N, H, C]
    eh = (edge_attr @ We).reshape(-1, HEADS, OUT_CH)      # [E, H, C]
    row = edge_index[0]
    col = edge_index[1]
    x_i = jnp.take(xh, row, axis=0)                       # [E, H, C]
    x_j = jnp.take(xh, col, axis=0)                       # [E, H, C]
    alpha_input = jnp.concatenate([x_i, x_j, eh], axis=-1)  # [E, H, 3C]
    alpha = (alpha_input * att).sum(axis=-1)              # [E, H]
    alpha = jnp.where(alpha >= 0, alpha, SLOPE * alpha)   # leaky_relu
    # segment softmax over incoming edges of each dst node (row)
    amax = jax.ops.segment_max(alpha, row, num_segments=N)
    amax = jnp.where(jnp.isfinite(amax), amax, 0.0)
    amax = jax.lax.stop_gradient(amax)
    ex = jnp.exp(alpha - jnp.take(amax, row, axis=0))
    denom = jax.ops.segment_sum(ex, row, num_segments=N)
    alpha = ex / (jnp.take(denom, row, axis=0) + 1e-16)
    msg = (x_j * alpha[..., None]).reshape(-1, HEADS * OUT_CH)  # [E, H*C]
    out = jax.ops.segment_sum(msg, row, num_segments=N)          # [N, H*C]
    out = out.reshape(-1, HEADS, OUT_CH).mean(axis=1)            # concat=False -> mean over heads
    out = out + bias
    return out

if __name__ == "__main__":
    import jax
    _d = setup_inputs()
    print(jax.jit(kernel)(*tuple(_d.values())))

</pallas_src>

<mosaic_0001>
#map = affine_map<(d0, d1) -> (0, 0, 0, 0)>
#map1 = affine_map<(d0, d1) -> (0)>
module attributes {stable_mosaic.version = 14 : i64} {
  func.func @_sc_alpha(%arg0: i32, %arg1: i32, %arg2: memref<32x5x1x2000xi32, #tpu.memory_space<hbm>>, %arg3: memref<32x5x1x2000xi32, #tpu.memory_space<hbm>>, %arg4: memref<32x5x1x2000xf32, #tpu.memory_space<hbm>>, %arg5: memref<10000xf32, #tpu.memory_space<hbm>>, %arg6: memref<10000xf32, #tpu.memory_space<hbm>>, %arg7: memref<32x5x1x2000xf32, #tpu.memory_space<hbm>>, %arg8: memref<10000xf32, #tpu.memory_space<vmem>>, %arg9: memref<10000xf32, #tpu.memory_space<vmem>>, %arg10: memref<1x2000xi32, #tpu.memory_space<vmem>>, %arg11: memref<1x2000xi32, #tpu.memory_space<vmem>>, %arg12: memref<1x2000xf32, #tpu.memory_space<vmem>>, %arg13: memref<1x2000xf32, #tpu.memory_space<vmem>>, %arg14: memref<16xf32, #tpu.memory_space<vmem>>) attributes {dimension_semantics = [#tpu.dimension_semantics<core_parallel>, #tpu.dimension_semantics<subcore_parallel>], iteration_bounds = array<i64: 2, 16>, scalar_prefetch = 0 : i64, scratch_operands = 7 : i64, tpu.core_type = #tpu.core_type<sc_vector_subcore>, window_params = [{transform_indices = #map}, {transform_indices = #map}, {transform_indices = #map}, {transform_indices = #map1}, {transform_indices = #map1}, {transform_indices = #map}]} {
    %mul3A = arith.constant 16 : i32
    %mul3A_0 = arith.muli %arg0, %mul3A : i32
    %add3A = arith.addi %mul3A_0, %arg1 : i32
    %broadcast_in_dim3A = arith.constant 0 : i32
    %broadcast_in_dim3A_1 = vector.broadcast %broadcast_in_dim3A : i32 to vector<16xi32>
    %iota3A = tpu.iota {dimensions = array<i32: 0>} : vector<16xi32>
    %scan3A = arith.constant 0 : i32
    %scan3A_2 = arith.constant 5 : i32
    %scan3A_3 = arith.addi %scan3A, %scan3A_2 : i32
    %scan3A_4 = arith.constant 1 : i32
    scf.for %scan3A_11 = %scan3A to %scan3A_3 step %scan3A_4  : i32 {
      %mul3A_12 = arith.constant 1 : i32
      %mul3A_13 = arith.muli %scan3A_11, %mul3A_12 : i32
      %add3A_14 = arith.constant 0 : i32
      %add3A_15 = arith.addi %add3A_14, %mul3A_13 : i32
      %mul3A_16 = arith.constant 2000 : i32
      %mul3A_17 = arith.muli %add3A_15, %mul3A_16 : i32
      %mul3A_18 = arith.constant 2000 : i32
      %mul3A_19 = arith.muli %add3A_15, %mul3A_18 : i32
      "tpu.region"() ({
        %run_scoped3A = tpu.sem_alloc : memref<!tpu.dma_semaphore, #tpu.memory_space<semaphore_mem>>
        %dma_start3A = tpu.memref_slice %arg8[%mul3A_19] : memref<10000xf32, #tpu.memory_space<vmem>> -> memref<2000xf32, #tpu.memory_space<vmem>>
        %dma_start3A_24 = tpu.memref_slice %arg5[%mul3A_17] : memref<10000xf32, #tpu.memory_space<hbm>> -> memref<2000xf32, #tpu.memory_space<hbm>>
        %dma_start3A_25 = tpu.memref_slice %arg8[%mul3A_19] : memref<10000xf32, #tpu.memory_space<vmem>> -> memref<2000xf32, #tpu.memory_space<vmem>>
        %dma_start3A_26 = tpu.memref_slice %arg5[%mul3A_17] : memref<10000xf32, #tpu.memory_space<hbm>> -> memref<2000xf32, #tpu.memory_space<hbm>>
        tpu.enqueue_dma source(%dma_start3A_26 : memref<2000xf32, #tpu.memory_space<hbm>>) target(%dma_start3A_25 : memref<2000xf32, #tpu.memory_space<vmem>>) target_semaphore(%run_scoped3A : memref<!tpu.dma_semaphore, #tpu.memory_space<semaphore_mem>>)
        %dma_wait3A = tpu.memref_slice %arg8[%mul3A_19] : memref<10000xf32, #tpu.memory_space<vmem>> -> memref<2000xf32, #tpu.memory_space<vmem>>
        %dma_wait3A_27 = tpu.memref_slice %arg5[%mul3A_17] : memref<10000xf32, #tpu.memory_space<hbm>> -> memref<2000xf32, #tpu.memory_space<hbm>>
        %dma_wait3A_28 = tpu.memref_slice %arg8[%mul3A_19] : memref<10000xf32, #tpu.memory_space<vmem>> -> memref<2000xf32, #tpu.memory_space<vmem>>
        %dma_wait3A_29 = tpu.memref_slice %arg5[%mul3A_17] : memref<10000xf32, #tpu.memory_space<hbm>> -> memref<2000xf32, #tpu.memory_space<hbm>>
        tpu.wait_dma2 semaphore(%run_scoped3A : memref<!tpu.dma_semaphore, #tpu.memory_space<semaphore_mem>>) src(%dma_wait3A_29 : memref<2000xf32, #tpu.memory_space<hbm>>) dst(%dma_wait3A_28 : memref<2000xf32, #tpu.memory_space<vmem>>)
        tpu.yield
      }) : () -> ()
      %mul3A_20 = arith.constant 2000 : i32
      %mul3A_21 = arith.muli %add3A_15, %mul3A_20 : i32
      %mul3A_22 = arith.constant 2000 : i32
      %mul3A_23 = arith.muli %add3A_15, %mul3A_22 : i32
      "tpu.region"() ({
        %run_scoped3A = tpu.sem_alloc : memref<!tpu.dma_semaphore, #tpu.memory_space<semaphore_mem>>
        %dma_start3A = tpu.memref_slice %arg9[%mul3A_23] : memref<10000xf32, #tpu.memory_space<vmem>> -> memref<2000xf32, #tpu.memory_space<vmem>>
        %dma_start3A_24 = tpu.memref_slice %arg6[%mul3A_21] : memref<10000xf32, #tpu.memory_space<hbm>> -> memref<2000xf32, #tpu.memory_space<hbm>>
        %dma_start3A_25 = tpu.memref_slice %arg9[%mul3A_23] : memref<10000xf32, #tpu.memory_space<vmem>> -> memref<2000xf32, #tpu.memory_space<vmem>>
        %dma_start3A_26 = tpu.memref_slice %arg6[%mul3A_21] : memref<10000xf32, #tpu.memory_space<hbm>> -> memref<2000xf32, #tpu.memory_space<hbm>>
        tpu.enqueue_dma source(%dma_start3A_26 : memref<2000xf32, #tpu.memory_space<hbm>>) target(%dma_start3A_25 : memref<2000xf32, #tpu.memory_space<vmem>>) target_semaphore(%run_scoped3A : memref<!tpu.dma_semaphore, #tpu.memory_space<semaphore_mem>>)
        %dma_wait3A = tpu.memref_slice %arg9[%mul3A_23] : memref<10000xf32, #tpu.memory_space<vmem>> -> memref<2000xf32, #tpu.memory_space<vmem>>
        %dma_wait3A_27 = tpu.memref_slice %arg6[%mul3A_21] : memref<10000xf32, #tpu.memory_space<hbm>> -> memref<2000xf32, #tpu.memory_space<hbm>>
        %dma_wait3A_28 = tpu.memref_slice %arg9[%mul3A_23] : memref<10000xf32, #tpu.memory_space<vmem>> -> memref<2000xf32, #tpu.memory_space<vmem>>
        %dma_wait3A_29 = tpu.memref_slice %arg6[%mul3A_21] : memref<10000xf32, #tpu.memory_space<hbm>> -> memref<2000xf32, #tpu.memory_space<hbm>>
        tpu.wait_dma2 semaphore(%run_scoped3A : memref<!tpu.dma_semaphore, #tpu.memory_space<semaphore_mem>>) src(%dma_wait3A_29 : memref<2000xf32, #tpu.memory_space<hbm>>) dst(%dma_wait3A_28 : memref<2000xf32, #tpu.memory_space<vmem>>)
        tpu.yield
      }) : () -> ()
    }
    %scan3A_5 = arith.constant 5 : i32
    %scan3A_6 = arith.constant 0 : i32
    %scan3A_7 = arith.constant 5 : i32
    %scan3A_8 = arith.addi %scan3A_6, %scan3A_7 : i32
    %scan3A_9 = arith.constant 1 : i32
    scf.for %scan3A_11 = %scan3A_6 to %scan3A_8 step %scan3A_9  : i32 {
      %mul3A_12 = arith.constant 1 : i32
      %mul3A_13 = arith.muli %scan3A_11, %mul3A_12 : i32
      %add3A_14 = arith.constant 0 : i32
      %add3A_15 = arith.addi %add3A_14, %mul3A_13 : i32
      "tpu.region"() ({
        %run_scoped3A = tpu.sem_alloc : memref<!tpu.dma_semaphore, #tpu.memory_space<semaphore_mem>>
        %dma_start3A = arith.constant 0 : i32
        %dma_start3A_21 = arith.constant 0 : i32
        %dma_start3A_22 = tpu.memref_slice %arg2[%add3A, %add3A_15, %dma_start3A, %dma_start3A_21] : memref<32x5x1x2000xi32, #tpu.memory_space<hbm>> -> memref<1x1x1x2000xi32, #tpu.memory_space<hbm>>
        %dma_start3A_23 = tpu.memref_squeeze %dma_start3A_22 : memref<1x1x1x2000xi32, #tpu.memory_space<hbm>> -> memref<1x2000xi32, #tpu.memory_space<hbm>>
        %dma_start3A_24 = arith.constant 0 : i32
        %dma_start3A_25 = arith.constant 0 : i32
        %dma_start3A_26 = tpu.memref_slice %arg2[%add3A, %add3A_15, %dma_start3A_24, %dma_start3A_25] : memref<32x5x1x2000xi32, #tpu.memory_space<hbm>> -> memref<1x1x1x2000xi32, #tpu.memory_space<hbm>>
        %dma_start3A_27 = tpu.memref_squeeze %dma_start3A_26 : memref<1x1x1x2000xi32, #tpu.memory_space<hbm>> -> memref<1x2000xi32, #tpu.memory_space<hbm>>
        tpu.enqueue_dma source(%dma_start3A_27 : memref<1x2000xi32, #tpu.memory_space<hbm>>) target(%arg10 : memref<1x2000xi32, #tpu.memory_space<vmem>>) target_semaphore(%run_scoped3A : memref<!tpu.dma_semaphore, #tpu.memory_space<semaphore_mem>>)
        %dma_wait3A = arith.constant 0 : i32
        %dma_wait3A_28 = arith.constant 0 : i32
        %dma_wait3A_29 = tpu.memref_slice %arg2[%add3A, %add3A_15, %dma_wait3A, %dma_wait3A_28] : memref<32x5x1x2000xi32, #tpu.memory_space<hbm>> -> memref<1x1x1x2000xi32, #tpu.memory_space<hbm>>
        %dma_wait3A_30 = tpu.memref_squeeze %dma_wait3A_29 : memref<1x1x1x2000xi32, #tpu.memory_space<hbm>> -> memref<1x2000xi32, #tpu.memory_space<hbm>>
        %dma_wait3A_31 = arith.constant 0 : i32
        %dma_wait3A_32 = arith.constant 0 : i32
        %dma_wait3A_33 = tpu.memref_slice %arg2[%add3A, %add3A_15, %dma_wait3A_31, %dma_wait3A_32] : memref<32x5x1x2000xi32, #tpu.memory_space<hbm>> -> memref<1x1x1x2000xi32, #tpu.memory_space<hbm>>
        %dma_wait3A_34 = tpu.memref_squeeze %dma_wait3A_33 : memref<1x1x1x2000xi32, #tpu.memory_space<hbm>> -> memref<1x2000xi32, #tpu.memory_space<hbm>>
        tpu.wait_dma2 semaphore(%run_scoped3A : memref<!tpu.dma_semaphore, #tpu.memory_space<semaphore_mem>>) src(%dma_wait3A_34 : memref<1x2000xi32, #tpu.memory_space<hbm>>) dst(%arg10 : memref<1x2000xi32, #tpu.memory_space<vmem>>)
        tpu.yield
      }) : () -> ()
      "tpu.region"() ({
        %run_scoped3A = tpu.sem_alloc : memref<!tpu.dma_semaphore, #tpu.memory_space<semaphore_mem>>
        %dma_start3A = arith.constant 0 : i32
        %dma_start3A_21 = arith.constant 0 : i32
        %dma_start3A_22 = tpu.memref_slice %arg3[%add3A, %add3A_15, %dma_start3A, %dma_start3A_21] : memref<32x5x1x2000xi32, #tpu.memory_space<hbm>> -> memref<1x1x1x2000xi32, #tpu.memory_space<hbm>>
        %dma_start3A_23 = tpu.memref_squeeze %dma_start3A_22 : memref<1x1x1x2000xi32, #tpu.memory_space<hbm>> -> memref<1x2000xi32, #tpu.memory_space<hbm>>
        %dma_start3A_24 = arith.constant 0 : i32
        %dma_start3A_25 = arith.constant 0 : i32
        %dma_start3A_26 = tpu.memref_slice %arg3[%add3A, %add3A_15, %dma_start3A_24, %dma_start3A_25] : memref<32x5x1x2000xi32, #tpu.memory_space<hbm>> -> memref<1x1x1x2000xi32, #tpu.memory_space<hbm>>
        %dma_start3A_27 = tpu.memref_squeeze %dma_start3A_26 : memref<1x1x1x2000xi32, #tpu.memory_space<hbm>> -> memref<1x2000xi32, #tpu.memory_space<hbm>>
        tpu.enqueue_dma source(%dma_start3A_27 : memref<1x2000xi32, #tpu.memory_space<hbm>>) target(%arg11 : memref<1x2000xi32, #tpu.memory_space<vmem>>) target_semaphore(%run_scoped3A : memref<!tpu.dma_semaphore, #tpu.memory_space<semaphore_mem>>)
        %dma_wait3A = arith.constant 0 : i32
        %dma_wait3A_28 = arith.constant 0 : i32
        %dma_wait3A_29 = tpu.memref_slice %arg3[%add3A, %add3A_15, %dma_wait3A, %dma_wait3A_28] : memref<32x5x1x2000xi32, #tpu.memory_space<hbm>> -> memref<1x1x1x2000xi32, #tpu.memory_space<hbm>>
        %dma_wait3A_30 = tpu.memref_squeeze %dma_wait3A_29 : memref<1x1x1x2000xi32, #tpu.memory_space<hbm>> -> memref<1x2000xi32, #tpu.memory_space<hbm>>
        %dma_wait3A_31 = arith.constant 0 : i32
        %dma_wait3A_32 = arith.constant 0 : i32
        %dma_wait3A_33 = tpu.memref_slice %arg3[%add3A, %add3A_15, %dma_wait3A_31, %dma_wait3A_32] : memref<32x5x1x2000xi32, #tpu.memory_space<hbm>> -> memref<1x1x1x2000xi32, #tpu.memory_space<hbm>>
        %dma_wait3A_34 = tpu.memref_squeeze %dma_wait3A_33 : memref<1x1x1x2000xi32, #tpu.memory_space<hbm>> -> memref<1x2000xi32, #tpu.memory_space<hbm>>
        tpu.wait_dma2 semaphore(%run_scoped3A : memref<!tpu.dma_semaphore, #tpu.memory_space<semaphore_mem>>) src(%dma_wait3A_34 : memref<1x2000xi32, #tpu.memory_space<hbm>>) dst(%arg11 : memref<1x2000xi32, #tpu.memory_space<vmem>>)
        tpu.yield
      }) : () -> ()
      "tpu.region"() ({
        %run_scoped3A = tpu.sem_alloc : memref<!tpu.dma_semaphore, #tpu.memory_space<semaphore_mem>>
        %dma_start3A = arith.constant 0 : i32
        %dma_start3A_21 = arith.constant 0 : i32
        %dma_start3A_22 = tpu.memref_slice %arg4[%add3A, %add3A_15, %dma_start3A, %dma_start3A_21] : memref<32x5x1x2000xf32, #tpu.memory_space<hbm>> -> memref<1x1x1x2000xf32, #tpu.memory_space<hbm>>
        %dma_start3A_23 = tpu.memref_squeeze %dma_start3A_22 : memref<1x1x1x2000xf32, #tpu.memory_space<hbm>> -> memref<1x2000xf32, #tpu.memory_space<hbm>>
        %dma_start3A_24 = arith.constant 0 : i32
        %dma_start3A_25 = arith.constant 0 : i32
        %dma_start3A_26 = tpu.memref_slice %arg4[%add3A, %add3A_15, %dma_start3A_24, %dma_start3A_25] : memref<32x5x1x2000xf32, #tpu.memory_space<hbm>> -> memref<1x1x1x2000xf32, #tpu.memory_space<hbm>>
        %dma_start3A_27 = tpu.memref_squeeze %dma_start3A_26 : memref<1x1x1x2000xf32, #tpu.memory_space<hbm>> -> memref<1x2000xf32, #tpu.memory_space<hbm>>
        tpu.enqueue_dma source(%dma_start3A_27 : memref<1x2000xf32, #tpu.memory_space<hbm>>) target(%arg12 : memref<1x2000xf32, #tpu.memory_space<vmem>>) target_semaphore(%run_scoped3A : memref<!tpu.dma_semaphore, #tpu.memory_space<semaphore_mem>>)
        %dma_wait3A = arith.constant 0 : i32
        %dma_wait3A_28 = arith.constant 0 : i32
        %dma_wait3A_29 = tpu.memref_slice %arg4[%add3A, %add3A_15, %dma_wait3A, %dma_wait3A_28] : memref<32x5x1x2000xf32, #tpu.memory_space<hbm>> -> memref<1x1x1x2000xf32, #tpu.memory_space<hbm>>
        %dma_wait3A_30 = tpu.memref_squeeze %dma_wait3A_29 : memref<1x1x1x2000xf32, #tpu.memory_space<hbm>> -> memref<1x2000xf32, #tpu.memory_space<hbm>>
        %dma_wait3A_31 = arith.constant 0 : i32
        %dma_wait3A_32 = arith.constant 0 : i32
        %dma_wait3A_33 = tpu.memref_slice %arg4[%add3A, %add3A_15, %dma_wait3A_31, %dma_wait3A_32] : memref<32x5x1x2000xf32, #tpu.memory_space<hbm>> -> memref<1x1x1x2000xf32, #tpu.memory_space<hbm>>
        %dma_wait3A_34 = tpu.memref_squeeze %dma_wait3A_33 : memref<1x1x1x2000xf32, #tpu.memory_space<hbm>> -> memref<1x2000xf32, #tpu.memory_space<hbm>>
        tpu.wait_dma2 semaphore(%run_scoped3A : memref<!tpu.dma_semaphore, #tpu.memory_space<semaphore_mem>>) src(%dma_wait3A_34 : memref<1x2000xf32, #tpu.memory_space<hbm>>) dst(%arg12 : memref<1x2000xf32, #tpu.memory_space<vmem>>)
        tpu.yield
      }) : () -> ()
      %scan3A_16 = arith.constant 0 : i32
      %scan3A_17 = arith.constant 125 : i32
      %scan3A_18 = arith.addi %scan3A_16, %scan3A_17 : i32
      %scan3A_19 = arith.constant 1 : i32
      scf.for %scan3A_21 = %scan3A_16 to %scan3A_18 step %scan3A_19  : i32 {
        %mul3A_22 = arith.constant 1 : i32
        %mul3A_23 = arith.muli %scan3A_21, %mul3A_22 : i32
        %add3A_24 = arith.constant 0 : i32
        %add3A_25 = arith.addi %add3A_24, %mul3A_23 : i32
        %mul3A_26 = arith.constant 16 : i32
        %mul3A_27 = arith.muli %add3A_25, %mul3A_26 : i32
        %add3A_28 = vector.broadcast %mul3A_27 : i32 to vector<16xi32>
        %add3A_29 = arith.addi %iota3A, %add3A_28 : vector<16xi32>
        %broadcast_in_dim3A_30 = arith.constant 0 : i32
        %broadcast_in_dim3A_31 = vector.broadcast %broadcast_in_dim3A_30 : i32 to vector<16xi32>
        %gather3A = tpu.vector_load_idx %arg10[%broadcast_in_dim3A_31, %add3A_29] : memref<1x2000xi32, #tpu.memory_space<vmem>>[vector<16xi32>, vector<16xi32>], vector<16xi32>,
        %gather3A_32 = tpu.vector_load_idx %arg11[%broadcast_in_dim3A_31, %add3A_29] : memref<1x2000xi32, #tpu.memory_space<vmem>>[vector<16xi32>, vector<16xi32>], vector<16xi32>,
        %gather3A_33 = tpu.vector_load_idx %arg8[%gather3A] : memref<10000xf32, #tpu.memory_space<vmem>>[vector<16xi32>], vector<16xf32>,
        %gather3A_34 = tpu.vector_load_idx %arg9[%gather3A_32] : memref<10000xf32, #tpu.memory_space<vmem>>[vector<16xi32>], vector<16xf32>,
        %add3A_35 = arith.addf %gather3A_33, %gather3A_34 : vector<16xf32>
        %gather3A_36 = tpu.vector_load_idx %arg12[%broadcast_in_dim3A_31, %add3A_29] : memref<1x2000xf32, #tpu.memory_space<vmem>>[vector<16xi32>, vector<16xi32>], vector<16xf32>,
        %add3A_37 = arith.addf %add3A_35, %gather3A_36 : vector<16xf32>
        %ge3A = arith.constant 0.000000e+00 : f32
        %ge3A_38 = vector.broadcast %ge3A : f32 to vector<16xf32>
        %ge3A_39 = arith.cmpf oge, %add3A_37, %ge3A_38 : vector<16xf32>
        %mul3A_40 = arith.constant 2.000000e-01 : f32
        %mul3A_41 = vector.broadcast %mul3A_40 : f32 to vector<16xf32>
        %mul3A_42 = arith.mulf %add3A_37, %mul3A_41 : vector<16xf32>
        %select_n3A = arith.select %ge3A_39, %add3A_37, %mul3A_42 : vector<16xi1>, vector<16xf32>
        tpu.vector_store_idx %arg13[%broadcast_in_dim3A_31, %add3A_29], %select_n3A : memref<1x2000xf32, #tpu.memory_space<vmem>>[vector<16xi32>, vector<16xi32>], vector<16xf32>,
      }
      %scan3A_20 = arith.constant 125 : i32
      "tpu.region"() ({
        %run_scoped3A = tpu.sem_alloc : memref<!tpu.dma_semaphore, #tpu.memory_space<semaphore_mem>>
        %dma_start3A = arith.constant 0 : i32
        %dma_start3A_21 = arith.constant 0 : i32
        %dma_start3A_22 = tpu.memref_slice %arg7[%add3A, %add3A_15, %dma_start3A, %dma_start3A_21] : memref<32x5x1x2000xf32, #tpu.memory_space<hbm>> -> memref<1x1x1x2000xf32, #tpu.memory_space<hbm>>
        %dma_start3A_23 = tpu.memref_squeeze %dma_start3A_22 : memref<1x1x1x2000xf32, #tpu.memory_space<hbm>> -> memref<1x2000xf32, #tpu.memory_space<hbm>>
        %dma_start3A_24 = arith.constant 0 : i32
        %dma_start3A_25 = arith.constant 0 : i32
        %dma_start3A_26 = tpu.memref_slice %arg7[%add3A, %add3A_15, %dma_start3A_24, %dma_start3A_25] : memref<32x5x1x2000xf32, #tpu.memory_space<hbm>> -> memref<1x1x1x2000xf32, #tpu.memory_space<hbm>>
        %dma_start3A_27 = tpu.memref_squeeze %dma_start3A_26 : memref<1x1x1x2000xf32, #tpu.memory_space<hbm>> -> memref<1x2000xf32, #tpu.memory_space<hbm>>
        tpu.enqueue_dma source(%arg13 : memref<1x2000xf32, #tpu.memory_space<vmem>>) target(%dma_start3A_27 : memref<1x2000xf32, #tpu.memory_space<hbm>>) target_semaphore(%run_scoped3A : memref<!tpu.dma_semaphore, #tpu.memory_space<semaphore_mem>>)
        %dma_wait3A = arith.constant 0 : i32
        %dma_wait3A_28 = arith.constant 0 : i32
        %dma_wait3A_29 = tpu.memref_slice %arg7[%add3A, %add3A_15, %dma_wait3A, %dma_wait3A_28] : memref<32x5x1x2000xf32, #tpu.memory_space<hbm>> -> memref<1x1x1x2000xf32, #tpu.memory_space<hbm>>
        %dma_wait3A_30 = tpu.memref_squeeze %dma_wait3A_29 : memref<1x1x1x2000xf32, #tpu.memory_space<hbm>> -> memref<1x2000xf32, #tpu.memory_space<hbm>>
        %dma_wait3A_31 = arith.constant 0 : i32
        %dma_wait3A_32 = arith.constant 0 : i32
        %dma_wait3A_33 = tpu.memref_slice %arg7[%add3A, %add3A_15, %dma_wait3A_31, %dma_wait3A_32] : memref<32x5x1x2000xf32, #tpu.memory_space<hbm>> -> memref<1x1x1x2000xf32, #tpu.memory_space<hbm>>
        %dma_wait3A_34 = tpu.memref_squeeze %dma_wait3A_33 : memref<1x1x1x2000xf32, #tpu.memory_space<hbm>> -> memref<1x2000xf32, #tpu.memory_space<hbm>>
        tpu.wait_dma2 semaphore(%run_scoped3A : memref<!tpu.dma_semaphore, #tpu.memory_space<semaphore_mem>>) src(%arg13 : memref<1x2000xf32, #tpu.memory_space<vmem>>) dst(%dma_wait3A_34 : memref<1x2000xf32, #tpu.memory_space<hbm>>)
        tpu.yield
      }) : () -> ()
    }
    %scan3A_10 = arith.constant 5 : i32
    return
  }
}

#map = affine_map<(d0, d1) -> (0, 0, 0, 0)>
#map1 = affine_map<(d0, d1) -> (0, 0)>
#map2 = affine_map<(d0, d1) -> (0, 0, 0)>
module attributes {stable_mosaic.version = 14 : i64} {
  func.func @_sc_agg(%arg0: i32, %arg1: i32, %arg2: memref<32x5x25x80xi32, #tpu.memory_space<hbm>>, %arg3: memref<32x5x1x2000xi32, #tpu.memory_space<hbm>>, %arg4: memref<32x5x25x80xi32, #tpu.memory_space<hbm>>, %arg5: memref<32x5x1x2000xf32, #tpu.memory_space<hbm>>, %arg6: memref<10000x128xf32, #tpu.memory_space<hbm>>, %arg7: memref<2x10000x128xf32, #tpu.memory_space<hbm>>, %arg8: memref<32x1x10000xf32, #tpu.memory_space<hbm>>, %arg9: memref<10000x128xf32, #tpu.memory_space<vmem_shared>>, %arg10: memref<1x10000xf32, #tpu.memory_space<vmem>>, %arg11: memref<25x80xi32, #tpu.memory_space<vmem>>, %arg12: memref<25x80xi32, #tpu.memory_space<vmem>>, %arg13: memref<1x2000xi32, #tpu.memory_space<vmem>>, %arg14: memref<1x2000xf32, #tpu.memory_space<vmem>>, %arg15: memref<80x128xf32, #tpu.memory_space<vmem>>, %arg16: memref<16x128xf32, #tpu.memory_space<vmem>>, %arg17: memref<16xi32, #tpu.memory_space<vmem>>, %arg18: memref<!tpu.dma_semaphore, #tpu.memory_space<semaphore_mem>>) attributes {dimension_semantics = [#tpu.dimension_semantics<core_parallel>, #tpu.dimension_semantics<subcore_parallel>], iteration_bounds = array<i64: 2, 16>, scalar_prefetch = 0 : i64, scratch_operands = 10 : i64, tpu.core_type = #tpu.core_type<sc_vector_subcore>, window_params = [{transform_indices = #map}, {transform_indices = #map}, {transform_indices = #map}, {transform_indices = #map}, {transform_indices = #map1}, {transform_indices = #map2}, {transform_indices = #map2}]} {
    %mul3A = arith.constant 16 : i32
    %mul3A_0 = arith.muli %arg0, %mul3A : i32
    %add3A = arith.addi %mul3A_0, %arg1 : i32
    %broadcast_in_dim3A = arith.constant 0.000000e+00 : f32
    %broadcast_in_dim3A_1 = vector.broadcast %broadcast_in_dim3A : f32 to vector<16xf32>
    %iota3A = tpu.iota {dimensions = array<i32: 0>} : vector<16xi32>
    %scan3A = arith.constant 0 : i32
    %scan3A_2 = arith.constant 16 : i32
    %scan3A_3 = arith.addi %scan3A, %scan3A_2 : i32
    %scan3A_4 = arith.constant 1 : i32
    scf.for %scan3A_40 = %scan3A to %scan3A_3 step %scan3A_4  : i32 {
      %mul3A_41 = arith.constant 1 : i32
      %mul3A_42 = arith.muli %scan3A_40, %mul3A_41 : i32
      %add3A_43 = arith.constant 0 : i32
      %add3A_44 = arith.addi %add3A_43, %mul3A_42 : i32
      %swap3A = arith.index_cast %add3A_44 : i32 to index
      %swap3A_45 = arith.constant 0 : index
      %swap3A_46 = tpu.vector_load %arg16[%swap3A, %swap3A_45] {strides = array<i32>} : memref<16x128xf32, #tpu.memory_space<vmem>>, vector<16xf32>,
      tpu.vector_store %arg16[%swap3A, %swap3A_45], %broadcast_in_dim3A_1 {strides = array<i32>} : memref<16x128xf32, #tpu.memory_space<vmem>>, vector<16xf32>,
      %swap3A_47 = arith.index_cast %add3A_44 : i32 to index
      %swap3A_48 = arith.constant 16 : index
      %swap3A_49 = tpu.vector_load %arg16[%swap3A_47, %swap3A_48] {strides = array<i32>} : memref<16x128xf32, #tpu.memory_space<vmem>>, vector<16xf32>,
      tpu.vector_store %arg16[%swap3A_47, %swap3A_48], %broadcast_in_dim3A_1 {strides = array<i32>} : memref<16x128xf32, #tpu.memory_space<vmem>>, vector<16xf32>,
      %swap3A_50 = arith.index_cast %add3A_44 : i32 to index
      %swap3A_51 = arith.constant 32 : index
      %swap3A_52 = tpu.vector_load %arg16[%swap3A_50, %swap3A_51] {strides = array<i32>} : memref<16x128xf32, #tpu.memory_space<vmem>>, vector<16xf32>,
      tpu.vector_store %arg16[%swap3A_50, %swap3A_51], %broadcast_in_dim3A_1 {strides = array<i32>} : memref<16x128xf32, #tpu.memory_space<vmem>>, vector<16xf32>,
      %swap3A_53 = arith.index_cast %add3A_44 : i32 to index
      %swap3A_54 = arith.constant 48 : index
      %swap3A_55 = tpu.vector_load %arg16[%swap3A_53, %swap3A_54] {strides = array<i32>} : memref<16x128xf32, #tpu.memory_space<vmem>>, vector<16xf32>,
      tpu.vector_store %arg16[%swap3A_53, %swap3A_54], %broadcast_in_dim3A_1 {strides = array<i32>} : memref<16x128xf32, #tpu.memory_space<vmem>>, vector<16xf32>,
      %swap3A_56 = arith.index_cast %add3A_44 : i32 to index
      %swap3A_57 = arith.constant 64 : index
      %swap3A_58 = tpu.vector_load %arg16[%swap3A_56, %swap3A_57] {strides = array<i32>} : memref<16x128xf32, #tpu.memory_space<vmem>>, vector<16xf32>,
      tpu.vector_store %arg16[%swap3A_56, %swap3A_57], %broadcast_in_dim3A_1 {strides = array<i32>} : memref<16x128xf32, #tpu.memory_space<vmem>>, vector<16xf32>,
      %swap3A_59 = arith.index_cast %add3A_44 : i32 to index
      %swap3A_60 = arith.constant 80 : index
      %swap3A_61 = tpu.vector_load %arg16[%swap3A_59, %swap3A_60] {strides = array<i32>} : memref<16x128xf32, #tpu.memory_space<vmem>>, vector<16xf32>,
      tpu.vector_store %arg16[%swap3A_59, %swap3A_60], %broadcast_in_dim3A_1 {strides = array<i32>} : memref<16x128xf32, #tpu.memory_space<vmem>>, vector<16xf32>,
      %swap3A_62 = arith.index_cast %add3A_44 : i32 to index
      %swap3A_63 = arith.constant 96 : index
      %swap3A_64 = tpu.vector_load %arg16[%swap3A_62, %swap3A_63] {strides = array<i32>} : memref<16x128xf32, #tpu.memory_space<vmem>>, vector<16xf32>,
      tpu.vector_store %arg16[%swap3A_62, %swap3A_63], %broadcast_in_dim3A_1 {strides = array<i32>} : memref<16x128xf32, #tpu.memory_space<vmem>>, vector<16xf32>,
      %swap3A_65 = arith.index_cast %add3A_44 : i32 to index
      %swap3A_66 = arith.constant 112 : index
      %swap3A_67 = tpu.vector_load %arg16[%swap3A_65, %swap3A_66] {strides = array<i32>} : memref<16x128xf32, #tpu.memory_space<vmem>>, vector<16xf32>,
      tpu.vector_store %arg16[%swap3A_65, %swap3A_66], %broadcast_in_dim3A_1 {strides = array<i32>} : memref<16x128xf32, #tpu.memory_space<vmem>>, vector<16xf32>,
    }
    %scan3A_5 = arith.constant 16 : i32
    %broadcast_in_dim3A_6 = arith.constant 0 : i32
    %broadcast_in_dim3A_7 = vector.broadcast %broadcast_in_dim3A_6 : i32 to vector<16xi32>
    %scan3A_8 = arith.constant 0 : i32
    %scan3A_9 = arith.constant 625 : i32
    %scan3A_10 = arith.addi %scan3A_8, %scan3A_9 : i32
    %scan3A_11 = arith.constant 1 : i32
    scf.for %scan3A_40 = %scan3A_8 to %scan3A_10 step %scan3A_11  : i32 {
      %mul3A_41 = arith.constant 1 : i32
      %mul3A_42 = arith.muli %scan3A_40, %mul3A_41 : i32
      %add3A_43 = arith.constant 0 : i32
      %add3A_44 = arith.addi %add3A_43, %mul3A_42 : i32
      %mul3A_45 = arith.constant 16 : i32
      %mul3A_46 = arith.muli %add3A_44, %mul3A_45 : i32
      %add3A_47 = vector.broadcast %mul3A_46 : i32 to vector<16xi32>
      %add3A_48 = arith.addi %iota3A, %add3A_47 : vector<16xi32>
      tpu.vector_store_idx %arg10[%broadcast_in_dim3A_7, %add3A_48], %broadcast_in_dim3A_1 : memref<1x10000xf32, #tpu.memory_space<vmem>>[vector<16xi32>, vector<16xi32>], vector<16xf32>,
    }
    %scan3A_12 = arith.constant 625 : i32
    %mul3A_13 = arith.constant 624 : i32
    %mul3A_14 = arith.muli %arg1, %mul3A_13 : i32
    %scan3A_15 = arith.constant 0 : i32
    %scan3A_16 = arith.constant 39 : i32
    %scan3A_17 = arith.addi %scan3A_15, %scan3A_16 : i32
    %scan3A_18 = arith.constant 1 : i32
    scf.for %scan3A_40 = %scan3A_15 to %scan3A_17 step %scan3A_18  : i32 {
      %mul3A_41 = arith.constant 1 : i32
      %mul3A_42 = arith.muli %scan3A_40, %mul3A_41 : i32
      %add3A_43 = arith.constant 0 : i32
      %add3A_44 = arith.addi %add3A_43, %mul3A_42 : i32
      %mul3A_45 = arith.constant 16 : i32
      %mul3A_46 = arith.muli %add3A_44, %mul3A_45 : i32
      %add3A_47 = arith.addi %mul3A_14, %mul3A_46 : i32
      %add3A_48 = vector.broadcast %add3A_47 : i32 to vector<16xi32>
      %add3A_49 = arith.addi %iota3A, %add3A_48 : vector<16xi32>
      %swap3A = arith.constant 0 : index
      %swap3A_50 = tpu.vector_load %arg17[%swap3A] {strides = array<i32>} : memref<16xi32, #tpu.memory_space<vmem>>, vector<16xi32>,
      tpu.vector_store %arg17[%swap3A], %add3A_49 {strides = array<i32>} : memref<16xi32, #tpu.memory_space<vmem>>, vector<16xi32>,
      "tpu.region"() ({
        %run_scoped3A = tpu.sem_alloc : memref<!tpu.dma_semaphore, #tpu.memory_space<semaphore_mem>>
        %dma_start3A = arith.constant 0 : i32
        %dma_start3A_51 = arith.constant 0 : i32
        %dma_start3A_52 = tpu.memref_slice %arg9[%dma_start3A, %dma_start3A_51] : memref<10000x128xf32, #tpu.memory_space<vmem_shared>> -> memref<10000x128xf32, #tpu.memory_space<vmem_shared>>
        tpu.enqueue_indirect_dma source(%arg16 : memref<16x128xf32, #tpu.memory_space<vmem>>) target(%dma_start3A_52 : memref<10000x128xf32, #tpu.memory_space<vmem_shared>>) offsets(%arg17 : memref<16xi32, #tpu.memory_space<vmem>>) semaphore(%run_scoped3A : memref<!tpu.dma_semaphore, #tpu.memory_space<semaphore_mem>>)
        %dma_wait3A = arith.constant 0 : i32
        %dma_wait3A_53 = arith.constant 0 : i32
        %dma_wait3A_54 = tpu.memref_slice %arg9[%dma_wait3A, %dma_wait3A_53] : memref<10000x128xf32, #tpu.memory_space<vmem_shared>> -> memref<10000x128xf32, #tpu.memory_space<vmem_shared>>
        tpu.wait_indirect_dma semaphore(%run_scoped3A : memref<!tpu.dma_semaphore, #tpu.memory_space<semaphore_mem>>) src(%arg16 : memref<16x128xf32, #tpu.memory_space<vmem>>) dst(%dma_wait3A_54 : memref<10000x128xf32, #tpu.memory_space<vmem_shared>>)
        tpu.yield
      }) : () -> ()
    }
    %scan3A_19 = arith.constant 39 : i32
    %eq3A = arith.constant 15 : i32
    %eq3A_20 = arith.cmpi eq, %arg1, %eq3A : i32
    %convert_element_type3A = arith.extui %eq3A_20 : i1 to i32
    %cond3A = arith.constant 0 : i32
    %cond3A_21 = arith.cmpi ne, %convert_element_type3A, %cond3A : i32
    scf.if %cond3A_21 {
      %scan3A_40 = arith.constant 0 : i32
      %mul3A_41 = arith.constant 1 : i32
      %mul3A_42 = arith.muli %scan3A_40, %mul3A_41 : i32
      %add3A_43 = arith.constant 0 : i32
      %add3A_44 = arith.addi %add3A_43, %mul3A_42 : i32
      %mul3A_45 = arith.constant 16 : i32
      %mul3A_46 = arith.muli %add3A_44, %mul3A_45 : i32
      %add3A_47 = arith.constant 9984 : i32
      %add3A_48 = arith.addi %add3A_47, %mul3A_46 : i32
      %add3A_49 = vector.broadcast %add3A_48 : i32 to vector<16xi32>
      %add3A_50 = arith.addi %iota3A, %add3A_49 : vector<16xi32>
      %swap3A = arith.constant 0 : index
      %swap3A_51 = tpu.vector_load %arg17[%swap3A] {strides = array<i32>} : memref<16xi32, #tpu.memory_space<vmem>>, vector<16xi32>,
      tpu.vector_store %arg17[%swap3A], %add3A_50 {strides = array<i32>} : memref<16xi32, #tpu.memory_space<vmem>>, vector<16xi32>,
      "tpu.region"() ({
        %run_scoped3A = tpu.sem_alloc : memref<!tpu.dma_semaphore, #tpu.memory_space<semaphore_mem>>
        %dma_start3A = arith.constant 0 : i32
        %dma_start3A_53 = arith.constant 0 : i32
        %dma_start3A_54 = tpu.memref_slice %arg9[%dma_start3A, %dma_start3A_53] : memref<10000x128xf32, #tpu.memory_space<vmem_shared>> -> memref<10000x128xf32, #tpu.memory_space<vmem_shared>>
        tpu.enqueue_indirect_dma source(%arg16 : memref<16x128xf32, #tpu.memory_space<vmem>>) target(%dma_start3A_54 : memref<10000x128xf32, #tpu.memory_space<vmem_shared>>) offsets(%arg17 : memref<16xi32, #tpu.memory_space<vmem>>) semaphore(%run_scoped3A : memref<!tpu.dma_semaphore, #tpu.memory_space<semaphore_mem>>)
        %dma_wait3A = arith.constant 0 : i32
        %dma_wait3A_55 = arith.constant 0 : i32
        %dma_wait3A_56 = tpu.memref_slice %arg9[%dma_wait3A, %dma_wait3A_55] : memref<10000x128xf32, #tpu.memory_space<vmem_shared>> -> memref<10000x128xf32, #tpu.memory_space<vmem_shared>>
        tpu.wait_indirect_dma semaphore(%run_scoped3A : memref<!tpu.dma_semaphore, #tpu.memory_space<semaphore_mem>>) src(%arg16 : memref<16x128xf32, #tpu.memory_space<vmem>>) dst(%dma_wait3A_56 : memref<10000x128xf32, #tpu.memory_space<vmem_shared>>)
        tpu.yield
      }) : () -> ()
      %scan3A_52 = arith.constant 1 : i32
    } else {
    }
    %barrier3A = arith.constant 0 : index
    tpu.barrier barrier_id(%barrier3A)
    %scan3A_22 = arith.constant 0 : i32
    %scan3A_23 = arith.constant 5 : i32
    %scan3A_24 = arith.addi %scan3A_22, %scan3A_23 : i32
    %scan3A_25 = arith.constant 1 : i32
    scf.for %scan3A_40 = %scan3A_22 to %scan3A_24 step %scan3A_25  : i32 {
      %mul3A_41 = arith.constant 1 : i32
      %mul3A_42 = arith.muli %scan3A_40, %mul3A_41 : i32
      %add3A_43 = arith.constant 0 : i32
      %add3A_44 = arith.addi %add3A_43, %mul3A_42 : i32
      "tpu.region"() ({
        %run_scoped3A = tpu.sem_alloc : memref<!tpu.dma_semaphore, #tpu.memory_space<semaphore_mem>>
        %dma_start3A = arith.constant 0 : i32
        %dma_start3A_55 = arith.constant 0 : i32
        %dma_start3A_56 = tpu.memref_slice %arg2[%add3A, %add3A_44, %dma_start3A, %dma_start3A_55] : memref<32x5x25x80xi32, #tpu.memory_space<hbm>> -> memref<1x1x25x80xi32, #tpu.memory_space<hbm>>
        %dma_start3A_57 = tpu.memref_squeeze %dma_start3A_56 : memref<1x1x25x80xi32, #tpu.memory_space<hbm>> -> memref<25x80xi32, #tpu.memory_space<hbm>>
        %dma_start3A_58 = arith.constant 0 : i32
        %dma_start3A_59 = arith.constant 0 : i32
        %dma_start3A_60 = tpu.memref_slice %arg2[%add3A, %add3A_44, %dma_start3A_58, %dma_start3A_59] : memref<32x5x25x80xi32, #tpu.memory_space<hbm>> -> memref<1x1x25x80xi32, #tpu.memory_space<hbm>>
        %dma_start3A_61 = tpu.memref_squeeze %dma_start3A_60 : memref<1x1x25x80xi32, #tpu.memory_space<hbm>> -> memref<25x80xi32, #tpu.memory_space<hbm>>
        tpu.enqueue_dma source(%dma_start3A_61 : memref<25x80xi32, #tpu.memory_space<hbm>>) target(%arg11 : memref<25x80xi32, #tpu.memory_space<vmem>>) target_semaphore(%run_scoped3A : memref<!tpu.dma_semaphore, #tpu.memory_space<semaphore_mem>>)
        %dma_wait3A = arith.constant 0 : i32
        %dma_wait3A_62 = arith.constant 0 : i32
        %dma_wait3A_63 = tpu.memref_slice %arg2[%add3A, %add3A_44, %dma_wait3A, %dma_wait3A_62] : memref<32x5x25x80xi32, #tpu.memory_space<hbm>> -> memref<1x1x25x80xi32, #tpu.memory_space<hbm>>
        %dma_wait3A_64 = tpu.memref_squeeze %dma_wait3A_63 : memref<1x1x25x80xi32, #tpu.memory_space<hbm>> -> memref<25x80xi32, #tpu.memory_space<hbm>>
        %dma_wait3A_65 = arith.constant 0 : i32
        %dma_wait3A_66 = arith.constant 0 : i32
        %dma_wait3A_67 = tpu.memref_slice %arg2[%add3A, %add3A_44, %dma_wait3A_65, %dma_wait3A_66] : memref<32x5x25x80xi32, #tpu.memory_space<hbm>> -> memref<1x1x25x80xi32, #tpu.memory_space<hbm>>
        %dma_wait3A_68 = tpu.memref_squeeze %dma_wait3A_67 : memref<1x1x25x80xi32, #tpu.memory_space<hbm>> -> memref<25x80xi32, #tpu.memory_space<hbm>>
        tpu.wait_dma2 semaphore(%run_scoped3A : memref<!tpu.dma_semaphore, #tpu.memory_space<semaphore_mem>>) src(%dma_wait3A_68 : memref<25x80xi32, #tpu.memory_space<hbm>>) dst(%arg11 : memref<25x80xi32, #tpu.memory_space<vmem>>)
        tpu.yield
      }) : () -> ()
      "tpu.region"() ({
        %run_scoped3A = tpu.sem_alloc : memref<!tpu.dma_semaphore, #tpu.memory_space<semaphore_mem>>
        %dma_start3A = arith.constant 0 : i32
        %dma_start3A_55 = arith.constant 0 : i32
        %dma_start3A_56 = tpu.memref_slice %arg3[%add3A, %add3A_44, %dma_start3A, %dma_start3A_55] : memref<32x5x1x2000xi32, #tpu.memory_space<hbm>> -> memref<1x1x1x2000xi32, #tpu.memory_space<hbm>>
        %dma_start3A_57 = tpu.memref_squeeze %dma_start3A_56 : memref<1x1x1x2000xi32, #tpu.memory_space<hbm>> -> memref<1x2000xi32, #tpu.memory_space<hbm>>
        %dma_start3A_58 = arith.constant 0 : i32
        %dma_start3A_59 = arith.constant 0 : i32
        %dma_start3A_60 = tpu.memref_slice %arg3[%add3A, %add3A_44, %dma_start3A_58, %dma_start3A_59] : memref<32x5x1x2000xi32, #tpu.memory_space<hbm>> -> memref<1x1x1x2000xi32, #tpu.memory_space<hbm>>
        %dma_start3A_61 = tpu.memref_squeeze %dma_start3A_60 : memref<1x1x1x2000xi32, #tpu.memory_space<hbm>> -> memref<1x2000xi32, #tpu.memory_space<hbm>>
        tpu.enqueue_dma source(%dma_start3A_61 : memref<1x2000xi32, #tpu.memory_space<hbm>>) target(%arg13 : memref<1x2000xi32, #tpu.memory_space<vmem>>) target_semaphore(%run_scoped3A : memref<!tpu.dma_semaphore, #tpu.memory_space<semaphore_mem>>)
        %dma_wait3A = arith.constant 0 : i32
        %dma_wait3A_62 = arith.constant 0 : i32
        %dma_wait3A_63 = tpu.memref_slice %arg3[%add3A, %add3A_44, %dma_wait3A, %dma_wait3A_62] : memref<32x5x1x2000xi32, #tpu.memory_space<hbm>> -> memref<1x1x1x2000xi32, #tpu.memory_space<hbm>>
        %dma_wait3A_64 = tpu.memref_squeeze %dma_wait3A_63 : memref<1x1x1x2000xi32, #tpu.memory_space<hbm>> -> memref<1x2000xi32, #tpu.memory_space<hbm>>
        %dma_wait3A_65 = arith.constant 0 : i32
        %dma_wait3A_66 = arith.constant 0 : i32
        %dma_wait3A_67 = tpu.memref_slice %arg3[%add3A, %add3A_44, %dma_wait3A_65, %dma_wait3A_66] : memref<32x5x1x2000xi32, #tpu.memory_space<hbm>> -> memref<1x1x1x2000xi32, #tpu.memory_space<hbm>>
        %dma_wait3A_68 = tpu.memref_squeeze %dma_wait3A_67 : memref<1x1x1x2000xi32, #tpu.memory_space<hbm>> -> memref<1x2000xi32, #tpu.memory_space<hbm>>
        tpu.wait_dma2 semaphore(%run_scoped3A : memref<!tpu.dma_semaphore, #tpu.memory_space<semaphore_mem>>) src(%dma_wait3A_68 : memref<1x2000xi32, #tpu.memory_space<hbm>>) dst(%arg13 : memref<1x2000xi32, #tpu.memory_space<vmem>>)
        tpu.yield
      }) : () -> ()
      "tpu.region"() ({
        %run_scoped3A = tpu.sem_alloc : memref<!tpu.dma_semaphore, #tpu.memory_space<semaphore_mem>>
        %dma_start3A = arith.constant 0 : i32
        %dma_start3A_55 = arith.constant 0 : i32
        %dma_start3A_56 = tpu.memref_slice %arg4[%add3A, %add3A_44, %dma_start3A, %dma_start3A_55] : memref<32x5x25x80xi32, #tpu.memory_space<hbm>> -> memref<1x1x25x80xi32, #tpu.memory_space<hbm>>
        %dma_start3A_57 = tpu.memref_squeeze %dma_start3A_56 : memref<1x1x25x80xi32, #tpu.memory_space<hbm>> -> memref<25x80xi32, #tpu.memory_space<hbm>>
        %dma_start3A_58 = arith.constant 0 : i32
        %dma_start3A_59 = arith.constant 0 : i32
        %dma_start3A_60 = tpu.memref_slice %arg4[%add3A, %add3A_44, %dma_start3A_58, %dma_start3A_59] : memref<32x5x25x80xi32, #tpu.memory_space<hbm>> -> memref<1x1x25x80xi32, #tpu.memory_space<hbm>>
        %dma_start3A_61 = tpu.memref_squeeze %dma_start3A_60 : memref<1x1x25x80xi32, #tpu.memory_space<hbm>> -> memref<25x80xi32, #tpu.memory_space<hbm>>
        tpu.enqueue_dma source(%dma_start3A_61 : memref<25x80xi32, #tpu.memory_space<hbm>>) target(%arg12 : memref<25x80xi32, #tpu.memory_space<vmem>>) target_semaphore(%run_scoped3A : memref<!tpu.dma_semaphore, #tpu.memory_space<semaphore_mem>>)
        %dma_wait3A = arith.constant 0 : i32
        %dma_wait3A_62 = arith.constant 0 : i32
        %dma_wait3A_63 = tpu.memref_slice %arg4[%add3A, %add3A_44, %dma_wait3A, %dma_wait3A_62] : memref<32x5x25x80xi32, #tpu.memory_space<hbm>> -> memref<1x1x25x80xi32, #tpu.memory_space<hbm>>
        %dma_wait3A_64 = tpu.memref_squeeze %dma_wait3A_63 : memref<1x1x25x80xi32, #tpu.memory_space<hbm>> -> memref<25x80xi32, #tpu.memory_space<hbm>>
        %dma_wait3A_65 = arith.constant 0 : i32
        %dma_wait3A_66 = arith.constant 0 : i32
        %dma_wait3A_67 = tpu.memref_slice %arg4[%add3A, %add3A_44, %dma_wait3A_65, %dma_wait3A_66] : memref<32x5x25x80xi32, #tpu.memory_space<hbm>> -> memref<1x1x25x80xi32, #tpu.memory_space<hbm>>
        %dma_wait3A_68 = tpu.memref_squeeze %dma_wait3A_67 : memref<1x1x25x80xi32, #tpu.memory_space<hbm>> -> memref<25x80xi32, #tpu.memory_space<hbm>>
        tpu.wait_dma2 semaphore(%run_scoped3A : memref<!tpu.dma_semaphore, #tpu.memory_space<semaphore_mem>>) src(%dma_wait3A_68 : memref<25x80xi32, #tpu.memory_space<hbm>>) dst(%arg12 : memref<25x80xi32, #tpu.memory_space<vmem>>)
        tpu.yield
      }) : () -> ()
      "tpu.region"() ({
        %run_scoped3A = tpu.sem_alloc : memref<!tpu.dma_semaphore, #tpu.memory_space<semaphore_mem>>
        %dma_start3A = arith.constant 0 : i32
        %dma_start3A_55 = arith.constant 0 : i32
        %dma_start3A_56 = tpu.memref_slice %arg5[%add3A, %add3A_44, %dma_start3A, %dma_start3A_55] : memref<32x5x1x2000xf32, #tpu.memory_space<hbm>> -> memref<1x1x1x2000xf32, #tpu.memory_space<hbm>>
        %dma_start3A_57 = tpu.memref_squeeze %dma_start3A_56 : memref<1x1x1x2000xf32, #tpu.memory_space<hbm>> -> memref<1x2000xf32, #tpu.memory_space<hbm>>
        %dma_start3A_58 = arith.constant 0 : i32
        %dma_start3A_59 = arith.constant 0 : i32
        %dma_start3A_60 = tpu.memref_slice %arg5[%add3A, %add3A_44, %dma_start3A_58, %dma_start3A_59] : memref<32x5x1x2000xf32, #tpu.memory_space<hbm>> -> memref<1x1x1x2000xf32, #tpu.memory_space<hbm>>
        %dma_start3A_61 = tpu.memref_squeeze %dma_start3A_60 : memref<1x1x1x2000xf32, #tpu.memory_space<hbm>> -> memref<1x2000xf32, #tpu.memory_space<hbm>>
        tpu.enqueue_dma source(%dma_start3A_61 : memref<1x2000xf32, #tpu.memory_space<hbm>>) target(%arg14 : memref<1x2000xf32, #tpu.memory_space<vmem>>) target_semaphore(%run_scoped3A : memref<!tpu.dma_semaphore, #tpu.memory_space<semaphore_mem>>)
        %dma_wait3A = arith.constant 0 : i32
        %dma_wait3A_62 = arith.constant 0 : i32
        %dma_wait3A_63 = tpu.memref_slice %arg5[%add3A, %add3A_44, %dma_wait3A, %dma_wait3A_62] : memref<32x5x1x2000xf32, #tpu.memory_space<hbm>> -> memref<1x1x1x2000xf32, #tpu.memory_space<hbm>>
        %dma_wait3A_64 = tpu.memref_squeeze %dma_wait3A_63 : memref<1x1x1x2000xf32, #tpu.memory_space<hbm>> -> memref<1x2000xf32, #tpu.memory_space<hbm>>
        %dma_wait3A_65 = arith.constant 0 : i32
        %dma_wait3A_66 = arith.constant 0 : i32
        %dma_wait3A_67 = tpu.memref_slice %arg5[%add3A, %add3A_44, %dma_wait3A_65, %dma_wait3A_66] : memref<32x5x1x2000xf32, #tpu.memory_space<hbm>> -> memref<1x1x1x2000xf32, #tpu.memory_space<hbm>>
        %dma_wait3A_68 = tpu.memref_squeeze %dma_wait3A_67 : memref<1x1x1x2000xf32, #tpu.memory_space<hbm>> -> memref<1x2000xf32, #tpu.memory_space<hbm>>
        tpu.wait_dma2 semaphore(%run_scoped3A : memref<!tpu.dma_semaphore, #tpu.memory_space<semaphore_mem>>) src(%dma_wait3A_68 : memref<1x2000xf32, #tpu.memory_space<hbm>>) dst(%arg14 : memref<1x2000xf32, #tpu.memory_space<vmem>>)
        tpu.yield
      }) : () -> ()
      %scan3A_45 = arith.constant 0 : i32
      %scan3A_46 = arith.constant 125 : i32
      %scan3A_47 = arith.addi %scan3A_45, %scan3A_46 : i32
      %scan3A_48 = arith.constant 1 : i32
      scf.for %scan3A_55 = %scan3A_45 to %scan3A_47 step %scan3A_48  : i32 {
        %mul3A_56 = arith.constant 1 : i32
        %mul3A_57 = arith.muli %scan3A_55, %mul3A_56 : i32
        %add3A_58 = arith.constant 0 : i32
        %add3A_59 = arith.addi %add3A_58, %mul3A_57 : i32
        %mul3A_60 = arith.constant 16 : i32
        %mul3A_61 = arith.muli %add3A_59, %mul3A_60 : i32
        %add3A_62 = vector.broadcast %mul3A_61 : i32 to vector<16xi32>
        %add3A_63 = arith.addi %iota3A, %add3A_62 : vector<16xi32>
        %gather3A = tpu.vector_load_idx %arg14[%broadcast_in_dim3A_7, %add3A_63] : memref<1x2000xf32, #tpu.memory_space<vmem>>[vector<16xi32>, vector<16xi32>], vector<16xf32>,
        %gather3A_64 = tpu.vector_load_idx %arg13[%broadcast_in_dim3A_7, %add3A_63] : memref<1x2000xi32, #tpu.memory_space<vmem>>[vector<16xi32>, vector<16xi32>], vector<16xi32>,
        tpu.vector_store_idx %arg10[%broadcast_in_dim3A_7, %gather3A_64], %gather3A {add = true} : memref<1x10000xf32, #tpu.memory_space<vmem>>[vector<16xi32>, vector<16xi32>], vector<16xf32>,
      }
      %scan3A_49 = arith.constant 125 : i32
      %scan3A_50 = arith.constant 0 : i32
      %scan3A_51 = arith.constant 25 : i32
      %scan3A_52 = arith.addi %scan3A_50, %scan3A_51 : i32
      %scan3A_53 = arith.constant 1 : i32
      scf.for %scan3A_55 = %scan3A_50 to %scan3A_52 step %scan3A_53  : i32 {
        %mul3A_56 = arith.constant 1 : i32
        %mul3A_57 = arith.muli %scan3A_55, %mul3A_56 : i32
        %add3A_58 = arith.constant 0 : i32
        %add3A_59 = arith.addi %add3A_58, %mul3A_57 : i32
        %dma_start3A = arith.constant 0 : i32
        %dma_start3A_60 = tpu.memref_slice %arg12[%add3A_59, %dma_start3A] : memref<25x80xi32, #tpu.memory_space<vmem>> -> memref<1x80xi32, #tpu.memory_space<vmem>>
        %dma_start3A_61 = tpu.memref_squeeze %dma_start3A_60 : memref<1x80xi32, #tpu.memory_space<vmem>> -> memref<80xi32, #tpu.memory_space<vmem>>
        %dma_start3A_62 = arith.constant 0 : i32
        %dma_start3A_63 = arith.constant 0 : i32
        %dma_start3A_64 = tpu.memref_slice %arg6[%dma_start3A_62, %dma_start3A_63] : memref<10000x128xf32, #tpu.memory_space<hbm>> -> memref<10000x128xf32, #tpu.memory_space<hbm>>
        tpu.enqueue_indirect_dma source(%dma_start3A_64 : memref<10000x128xf32, #tpu.memory_space<hbm>>) target(%arg15 : memref<80x128xf32, #tpu.memory_space<vmem>>) offsets(%dma_start3A_61 : memref<80xi32, #tpu.memory_space<vmem>>) semaphore(%arg18 : memref<!tpu.dma_semaphore, #tpu.memory_space<semaphore_mem>>)
        %dma_wait3A = arith.constant 0 : i32
        %dma_wait3A_65 = tpu.memref_slice %arg12[%add3A_59, %dma_wait3A] : memref<25x80xi32, #tpu.memory_space<vmem>> -> memref<1x80xi32, #tpu.memory_space<vmem>>
        %dma_wait3A_66 = tpu.memref_squeeze %dma_wait3A_65 : memref<1x80xi32, #tpu.memory_space<vmem>> -> memref<80xi32, #tpu.memory_space<vmem>>
        %dma_wait3A_67 = arith.constant 0 : i32
        %dma_wait3A_68 = arith.constant 0 : i32
        %dma_wait3A_69 = tpu.memref_slice %arg6[%dma_wait3A_67, %dma_wait3A_68] : memref<10000x128xf32, #tpu.memory_space<hbm>> -> memref<10000x128xf32, #tpu.memory_space<hbm>>
        tpu.wait_indirect_dma semaphore(%arg18 : memref<!tpu.dma_semaphore, #tpu.memory_space<semaphore_mem>>) src(%dma_wait3A_69 : memref<10000x128xf32, #tpu.memory_space<hbm>>) dst(%arg15 : memref<80x128xf32, #tpu.memory_space<vmem>>)
        %scan3A_70 = arith.constant 0 : i32
        %scan3A_71 = arith.constant 80 : i32
        %scan3A_72 = arith.addi %scan3A_70, %scan3A_71 : i32
        %scan3A_73 = arith.constant 1 : i32
        scf.for %scan3A_75 = %scan3A_70 to %scan3A_72 step %scan3A_73  : i32 {
          %mul3A_76 = arith.constant 1 : i32
          %mul3A_77 = arith.muli %scan3A_75, %mul3A_76 : i32
          %add3A_78 = arith.constant 0 : i32
          %add3A_79 = arith.addi %add3A_78, %mul3A_77 : i32
          %broadcast_in_dim3A_80 = arith.constant 0 : i32
          %broadcast_in_dim3A_81 = vector.broadcast %broadcast_in_dim3A_80 : i32 to vector<16xi32>
          %mul3A_82 = arith.constant 80 : i32
          %mul3A_83 = arith.muli %add3A_59, %mul3A_82 : i32
          %add3A_84 = arith.addi %mul3A_83, %add3A_79 : i32
          %add3A_85 = vector.broadcast %add3A_84 : i32 to vector<16xi32>
          %add3A_86 = arith.addi %broadcast_in_dim3A_81, %add3A_85 : vector<16xi32>
          %gather3A = tpu.vector_load_idx %arg14[%broadcast_in_dim3A_7, %add3A_86] : memref<1x2000xf32, #tpu.memory_space<vmem>>[vector<16xi32>, vector<16xi32>], vector<16xf32>,
          %get3A = arith.index_cast %add3A_79 : i32 to index
          %get3A_87 = arith.constant 0 : index
          %get3A_88 = tpu.vector_load %arg15[%get3A, %get3A_87] {strides = array<i32>} : memref<80x128xf32, #tpu.memory_space<vmem>>, vector<16xf32>,
          %mul3A_89 = arith.mulf %get3A_88, %gather3A : vector<16xf32>
          %swap3A = arith.index_cast %add3A_79 : i32 to index
          %swap3A_90 = arith.constant 0 : index
          %swap3A_91 = tpu.vector_load %arg15[%swap3A, %swap3A_90] {strides = array<i32>} : memref<80x128xf32, #tpu.memory_space<vmem>>, vector<16xf32>,
          tpu.vector_store %arg15[%swap3A, %swap3A_90], %mul3A_89 {strides = array<i32>} : memref<80x128xf32, #tpu.memory_space<vmem>>, vector<16xf32>,
          %get3A_92 = arith.index_cast %add3A_79 : i32 to index
          %get3A_93 = arith.constant 16 : index
          %get3A_94 = tpu.vector_load %arg15[%get3A_92, %get3A_93] {strides = array<i32>} : memref<80x128xf32, #tpu.memory_space<vmem>>, vector<16xf32>,
          %mul3A_95 = arith.mulf %get3A_94, %gather3A : vector<16xf32>
          %swap3A_96 = arith.index_cast %add3A_79 : i32 to index
          %swap3A_97 = arith.constant 16 : index
          %swap3A_98 = tpu.vector_load %arg15[%swap3A_96, %swap3A_97] {strides = array<i32>} : memref<80x128xf32, #tpu.memory_space<vmem>>, vector<16xf32>,
          tpu.vector_store %arg15[%swap3A_96, %swap3A_97], %mul3A_95 {strides = array<i32>} : memref<80x128xf32, #tpu.memory_space<vmem>>, vector<16xf32>,
          %get3A_99 = arith.index_cast %add3A_79 : i32 to index
          %get3A_100 = arith.constant 32 : index
          %get3A_101 = tpu.vector_load %arg15[%get3A_99, %get3A_100] {strides = array<i32>} : memref<80x128xf32, #tpu.memory_space<vmem>>, vector<16xf32>,
          %mul3A_102 = arith.mulf %get3A_101, %gather3A : vector<16xf32>
          %swap3A_103 = arith.index_cast %add3A_79 : i32 to index
          %swap3A_104 = arith.constant 32 : index
          %swap3A_105 = tpu.vector_load %arg15[%swap3A_103, %swap3A_104] {strides = array<i32>} : memref<80x128xf32, #tpu.memory_space<vmem>>, vector<16xf32>,
          tpu.vector_store %arg15[%swap3A_103, %swap3A_104], %mul3A_102 {strides = array<i32>} : memref<80x128xf32, #tpu.memory_space<vmem>>, vector<16xf32>,
          %get3A_106 = arith.index_cast %add3A_79 : i32 to index
          %get3A_107 = arith.constant 48 : index
          %get3A_108 = tpu.vector_load %arg15[%get3A_106, %get3A_107] {strides = array<i32>} : memref<80x128xf32, #tpu.memory_space<vmem>>, vector<16xf32>,
          %mul3A_109 = arith.mulf %get3A_108, %gather3A : vector<16xf32>
          %swap3A_110 = arith.index_cast %add3A_79 : i32 to index
          %swap3A_111 = arith.constant 48 : index
          %swap3A_112 = tpu.vector_load %arg15[%swap3A_110, %swap3A_111] {strides = array<i32>} : memref<80x128xf32, #tpu.memory_space<vmem>>, vector<16xf32>,
          tpu.vector_store %arg15[%swap3A_110, %swap3A_111], %mul3A_109 {strides = array<i32>} : memref<80x128xf32, #tpu.memory_space<vmem>>, vector<16xf32>,
          %get3A_113 = arith.index_cast %add3A_79 : i32 to index
          %get3A_114 = arith.constant 64 : index
          %get3A_115 = tpu.vector_load %arg15[%get3A_113, %get3A_114] {strides = array<i32>} : memref<80x128xf32, #tpu.memory_space<vmem>>, vector<16xf32>,
          %mul3A_116 = arith.mulf %get3A_115, %gather3A : vector<16xf32>
          %swap3A_117 = arith.index_cast %add3A_79 : i32 to index
          %swap3A_118 = arith.constant 64 : index
          %swap3A_119 = tpu.vector_load %arg15[%swap3A_117, %swap3A_118] {strides = array<i32>} : memref<80x128xf32, #tpu.memory_space<vmem>>, vector<16xf32>,
          tpu.vector_store %arg15[%swap3A_117, %swap3A_118], %mul3A_116 {strides = array<i32>} : memref<80x128xf32, #tpu.memory_space<vmem>>, vector<16xf32>,
          %get3A_120 = arith.index_cast %add3A_79 : i32 to index
          %get3A_121 = arith.constant 80 : index
          %get3A_122 = tpu.vector_load %arg15[%get3A_120, %get3A_121] {strides = array<i32>} : memref<80x128xf32, #tpu.memory_space<vmem>>, vector<16xf32>,
          %mul3A_123 = arith.mulf %get3A_122, %gather3A : vector<16xf32>
          %swap3A_124 = arith.index_cast %add3A_79 : i32 to index
          %swap3A_125 = arith.constant 80 : index
          %swap3A_126 = tpu.vector_load %arg15[%swap3A_124, %swap3A_125] {strides = array<i32>} : memref<80x128xf32, #tpu.memory_space<vmem>>, vector<16xf32>,
          tpu.vector_store %arg15[%swap3A_124, %swap3A_125], %mul3A_123 {strides = array<i32>} : memref<80x128xf32, #tpu.memory_space<vmem>>, vector<16xf32>,
          %get3A_127 = arith.index_cast %add3A_79 : i32 to index
          %get3A_128 = arith.constant 96 : index
          %get3A_129 = tpu.vector_load %arg15[%get3A_127, %get3A_128] {strides = array<i32>} : memref<80x128xf32, #tpu.memory_space<vmem>>, vector<16xf32>,
          %mul3A_130 = arith.mulf %get3A_129, %gather3A : vector<16xf32>
          %swap3A_131 = arith.index_cast %add3A_79 : i32 to index
          %swap3A_132 = arith.constant 96 : index
          %swap3A_133 = tpu.vector_load %arg15[%swap3A_131, %swap3A_132] {strides = array<i32>} : memref<80x128xf32, #tpu.memory_space<vmem>>, vector<16xf32>,
          tpu.vector_store %arg15[%swap3A_131, %swap3A_132], %mul3A_130 {strides = array<i32>} : memref<80x128xf32, #tpu.memory_space<vmem>>, vector<16xf32>,
          %get3A_134 = arith.index_cast %add3A_79 : i32 to index
          %get3A_135 = arith.constant 112 : index
          %get3A_136 = tpu.vector_load %arg15[%get3A_134, %get3A_135] {strides = array<i32>} : memref<80x128xf32, #tpu.memory_space<vmem>>, vector<16xf32>,
          %mul3A_137 = arith.mulf %get3A_136, %gather3A : vector<16xf32>
          %swap3A_138 = arith.index_cast %add3A_79 : i32 to index
          %swap3A_139 = arith.constant 112 : index
          %swap3A_140 = tpu.vector_load %arg15[%swap3A_138, %swap3A_139] {strides = array<i32>} : memref<80x128xf32, #tpu.memory_space<vmem>>, vector<16xf32>,
          tpu.vector_store %arg15[%swap3A_138, %swap3A_139], %mul3A_137 {strides = array<i32>} : memref<80x128xf32, #tpu.memory_space<vmem>>, vector<16xf32>,
        }
        %scan3A_74 = arith.constant 80 : i32
        "tpu.region"() ({
          %run_scoped3A = tpu.sem_alloc : memref<!tpu.dma_semaphore, #tpu.memory_space<semaphore_mem>>
          %dma_start3A_75 = arith.constant 0 : i32
          %dma_start3A_76 = tpu.memref_slice %arg11[%add3A_59, %dma_start3A_75] : memref<25x80xi32, #tpu.memory_space<vmem>> -> memref<1x80xi32, #tpu.memory_space<vmem>>
          %dma_start3A_77 = tpu.memref_squeeze %dma_start3A_76 : memref<1x80xi32, #tpu.memory_space<vmem>> -> memref<80xi32, #tpu.memory_space<vmem>>
          %dma_start3A_78 = arith.constant 0 : i32
          %dma_start3A_79 = arith.constant 0 : i32
          %dma_start3A_80 = tpu.memref_slice %arg9[%dma_start3A_78, %dma_start3A_79] : memref<10000x128xf32, #tpu.memory_space<vmem_shared>> -> memref<10000x128xf32, #tpu.memory_space<vmem_shared>>
          tpu.enqueue_indirect_dma source(%arg15 : memref<80x128xf32, #tpu.memory_space<vmem>>) target(%dma_start3A_80 : memref<10000x128xf32, #tpu.memory_space<vmem_shared>>) offsets(%dma_start3A_77 : memref<80xi32, #tpu.memory_space<vmem>>) semaphore(%run_scoped3A : memref<!tpu.dma_semaphore, #tpu.memory_space<semaphore_mem>>) {add = true}
          %dma_wait3A_81 = arith.constant 0 : i32
          %dma_wait3A_82 = tpu.memref_slice %arg11[%add3A_59, %dma_wait3A_81] : memref<25x80xi32, #tpu.memory_space<vmem>> -> memref<1x80xi32, #tpu.memory_space<vmem>>
          %dma_wait3A_83 = tpu.memref_squeeze %dma_wait3A_82 : memref<1x80xi32, #tpu.memory_space<vmem>> -> memref<80xi32, #tpu.memory_space<vmem>>
          %dma_wait3A_84 = arith.constant 0 : i32
          %dma_wait3A_85 = arith.constant 0 : i32
          %dma_wait3A_86 = tpu.memref_slice %arg9[%dma_wait3A_84, %dma_wait3A_85] : memref<10000x128xf32, #tpu.memory_space<vmem_shared>> -> memref<10000x128xf32, #tpu.memory_space<vmem_shared>>
          tpu.wait_indirect_dma semaphore(%run_scoped3A : memref<!tpu.dma_semaphore, #tpu.memory_space<semaphore_mem>>) src(%arg15 : memref<80x128xf32, #tpu.memory_space<vmem>>) dst(%dma_wait3A_86 : memref<10000x128xf32, #tpu.memory_space<vmem_shared>>)
          tpu.yield
        }) : () -> ()
      }
      %scan3A_54 = arith.constant 25 : i32
    }
    %scan3A_26 = arith.constant 5 : i32
    %barrier3A_27 = arith.constant 0 : index
    tpu.barrier barrier_id(%barrier3A_27)
    %mul3A_28 = arith.constant 624 : i32
    %mul3A_29 = arith.muli %arg1, %mul3A_28 : i32
    %scan3A_30 = arith.constant 0 : i32
    %scan3A_31 = arith.constant 39 : i32
    %scan3A_32 = arith.addi %scan3A_30, %scan3A_31 : i32
    %scan3A_33 = arith.constant 1 : i32
    scf.for %scan3A_40 = %scan3A_30 to %scan3A_32 step %scan3A_33  : i32 {
      %mul3A_41 = arith.constant 1 : i32
      %mul3A_42 = arith.muli %scan3A_40, %mul3A_41 : i32
      %add3A_43 = arith.constant 0 : i32
      %add3A_44 = arith.addi %add3A_43, %mul3A_42 : i32
      %mul3A_45 = arith.constant 16 : i32
      %mul3A_46 = arith.muli %add3A_44, %mul3A_45 : i32
      %add3A_47 = arith.addi %mul3A_29, %mul3A_46 : i32
      %add3A_48 = vector.broadcast %add3A_47 : i32 to vector<16xi32>
      %add3A_49 = arith.addi %iota3A, %add3A_48 : vector<16xi32>
      %swap3A = arith.constant 0 : index
      %swap3A_50 = tpu.vector_load %arg17[%swap3A] {strides = array<i32>} : memref<16xi32, #tpu.memory_space<vmem>>, vector<16xi32>,
      tpu.vector_store %arg17[%swap3A], %add3A_49 {strides = array<i32>} : memref<16xi32, #tpu.memory_space<vmem>>, vector<16xi32>,
      "tpu.region"() ({
        %run_scoped3A = tpu.sem_alloc : memref<!tpu.dma_semaphore, #tpu.memory_space<semaphore_mem>>
        %dma_start3A = arith.constant 0 : i32
        %dma_start3A_51 = arith.constant 0 : i32
        %dma_start3A_52 = tpu.memref_slice %arg9[%dma_start3A, %dma_start3A_51] : memref<10000x128xf32, #tpu.memory_space<vmem_shared>> -> memref<10000x128xf32, #tpu.memory_space<vmem_shared>>
        tpu.enqueue_indirect_dma source(%dma_start3A_52 : memref<10000x128xf32, #tpu.memory_space<vmem_shared>>) target(%arg16 : memref<16x128xf32, #tpu.memory_space<vmem>>) offsets(%arg17 : memref<16xi32, #tpu.memory_space<vmem>>) semaphore(%run_scoped3A : memref<!tpu.dma_semaphore, #tpu.memory_space<semaphore_mem>>)
        %dma_wait3A = arith.constant 0 : i32
        %dma_wait3A_53 = arith.constant 0 : i32
        %dma_wait3A_54 = tpu.memref_slice %arg9[%dma_wait3A, %dma_wait3A_53] : memref<10000x128xf32, #tpu.memory_space<vmem_shared>> -> memref<10000x128xf32, #tpu.memory_space<vmem_shared>>
        tpu.wait_indirect_dma semaphore(%run_scoped3A : memref<!tpu.dma_semaphore, #tpu.memory_space<semaphore_mem>>) src(%dma_wait3A_54 : memref<10000x128xf32, #tpu.memory_space<vmem_shared>>) dst(%arg16 : memref<16x128xf32, #tpu.memory_space<vmem>>)
        tpu.yield
      }) : () -> ()
      "tpu.region"() ({
        %run_scoped3A = tpu.sem_alloc : memref<!tpu.dma_semaphore, #tpu.memory_space<semaphore_mem>>
        %dma_start3A = arith.constant 0 : i32
        %dma_start3A_51 = tpu.memref_slice %arg7[%arg0, %add3A_47, %dma_start3A] : memref<2x10000x128xf32, #tpu.memory_space<hbm>> -> memref<1x16x128xf32, #tpu.memory_space<hbm>>
        %dma_start3A_52 = tpu.memref_squeeze %dma_start3A_51 : memref<1x16x128xf32, #tpu.memory_space<hbm>> -> memref<16x128xf32, #tpu.memory_space<hbm>>
        %dma_start3A_53 = arith.constant 0 : i32
        %dma_start3A_54 = tpu.memref_slice %arg7[%arg0, %add3A_47, %dma_start3A_53] : memref<2x10000x128xf32, #tpu.memory_space<hbm>> -> memref<1x16x128xf32, #tpu.memory_space<hbm>>
        %dma_start3A_55 = tpu.memref_squeeze %dma_start3A_54 : memref<1x16x128xf32, #tpu.memory_space<hbm>> -> memref<16x128xf32, #tpu.memory_space<hbm>>
        tpu.enqueue_dma source(%arg16 : memref<16x128xf32, #tpu.memory_space<vmem>>) target(%dma_start3A_55 : memref<16x128xf32, #tpu.memory_space<hbm>>) target_semaphore(%run_scoped3A : memref<!tpu.dma_semaphore, #tpu.memory_space<semaphore_mem>>)
        %dma_wait3A = arith.constant 0 : i32
        %dma_wait3A_56 = tpu.memref_slice %arg7[%arg0, %add3A_47, %dma_wait3A] : memref<2x10000x128xf32, #tpu.memory_space<hbm>> -> memref<1x16x128xf32, #tpu.memory_space<hbm>>
        %dma_wait3A_57 = tpu.memref_squeeze %dma_wait3A_56 : memref<1x16x128xf32, #tpu.memory_space<hbm>> -> memref<16x128xf32, #tpu.memory_space<hbm>>
        %dma_wait3A_58 = arith.constant 0 : i32
        %dma_wait3A_59 = tpu.memref_slice %arg7[%arg0, %add3A_47, %dma_wait3A_58] : memref<2x10000x128xf32, #tpu.memory_space<hbm>> -> memref<1x16x128xf32, #tpu.memory_space<hbm>>
        %dma_wait3A_60 = tpu.memref_squeeze %dma_wait3A_59 : memref<1x16x128xf32, #tpu.memory_space<hbm>> -> memref<16x128xf32, #tpu.memory_space<hbm>>
        tpu.wait_dma2 semaphore(%run_scoped3A : memref<!tpu.dma_semaphore, #tpu.memory_space<semaphore_mem>>) src(%arg16 : memref<16x128xf32, #tpu.memory_space<vmem>>) dst(%dma_wait3A_60 : memref<16x128xf32, #tpu.memory_space<hbm>>)
        tpu.yield
      }) : () -> ()
    }
    %scan3A_34 = arith.constant 39 : i32
    %eq3A_35 = arith.constant 15 : i32
    %eq3A_36 = arith.cmpi eq, %arg1, %eq3A_35 : i32
    %convert_element_type3A_37 = arith.extui %eq3A_36 : i1 to i32
    %cond3A_38 = arith.constant 0 : i32
    %cond3A_39 = arith.cmpi ne, %convert_element_type3A_37, %cond3A_38 : i32
    scf.if %cond3A_39 {
      %scan3A_40 = arith.constant 0 : i32
      %mul3A_41 = arith.constant 1 : i32
      %mul3A_42 = arith.muli %scan3A_40, %mul3A_41 : i32
      %add3A_43 = arith.constant 0 : i32
      %add3A_44 = arith.addi %add3A_43, %mul3A_42 : i32
      %mul3A_45 = arith.constant 16 : i32
      %mul3A_46 = arith.muli %add3A_44, %mul3A_45 : i32
      %add3A_47 = arith.constant 9984 : i32
      %add3A_48 = arith.addi %add3A_47, %mul3A_46 : i32
      %add3A_49 = vector.broadcast %add3A_48 : i32 to vector<16xi32>
      %add3A_50 = arith.addi %iota3A, %add3A_49 : vector<16xi32>
      %swap3A = arith.constant 0 : index
      %swap3A_51 = tpu.vector_load %arg17[%swap3A] {strides = array<i32>} : memref<16xi32, #tpu.memory_space<vmem>>, vector<16xi32>,
      tpu.vector_store %arg17[%swap3A], %add3A_50 {strides = array<i32>} : memref<16xi32, #tpu.memory_space<vmem>>, vector<16xi32>,
      "tpu.region"() ({
        %run_scoped3A = tpu.sem_alloc : memref<!tpu.dma_semaphore, #tpu.memory_space<semaphore_mem>>
        %dma_start3A = arith.constant 0 : i32
        %dma_start3A_53 = arith.constant 0 : i32
        %dma_start3A_54 = tpu.memref_slice %arg9[%dma_start3A, %dma_start3A_53] : memref<10000x128xf32, #tpu.memory_space<vmem_shared>> -> memref<10000x128xf32, #tpu.memory_space<vmem_shared>>
        tpu.enqueue_indirect_dma source(%dma_start3A_54 : memref<10000x128xf32, #tpu.memory_space<vmem_shared>>) target(%arg16 : memref<16x128xf32, #tpu.memory_space<vmem>>) offsets(%arg17 : memref<16xi32, #tpu.memory_space<vmem>>) semaphore(%run_scoped3A : memref<!tpu.dma_semaphore, #tpu.memory_space<semaphore_mem>>)
        %dma_wait3A = arith.constant 0 : i32
        %dma_wait3A_55 = arith.constant 0 : i32
        %dma_wait3A_56 = tpu.memref_slice %arg9[%dma_wait3A, %dma_wait3A_55] : memref<10000x128xf32, #tpu.memory_space<vmem_shared>> -> memref<10000x128xf32, #tpu.memory_space<vmem_shared>>
        tpu.wait_indirect_dma semaphore(%run_scoped3A : memref<!tpu.dma_semaphore, #tpu.memory_space<semaphore_mem>>) src(%dma_wait3A_56 : memref<10000x128xf32, #tpu.memory_space<vmem_shared>>) dst(%arg16 : memref<16x128xf32, #tpu.memory_space<vmem>>)
        tpu.yield
      }) : () -> ()
      "tpu.region"() ({
        %run_scoped3A = tpu.sem_alloc : memref<!tpu.dma_semaphore, #tpu.memory_space<semaphore_mem>>
        %dma_start3A = arith.constant 0 : i32
        %dma_start3A_53 = tpu.memref_slice %arg7[%arg0, %add3A_48, %dma_start3A] : memref<2x10000x128xf32, #tpu.memory_space<hbm>> -> memref<1x16x128xf32, #tpu.memory_space<hbm>>
        %dma_start3A_54 = tpu.memref_squeeze %dma_start3A_53 : memref<1x16x128xf32, #tpu.memory_space<hbm>> -> memref<16x128xf32, #tpu.memory_space<hbm>>
        %dma_start3A_55 = arith.constant 0 : i32
        %dma_start3A_56 = tpu.memref_slice %arg7[%arg0, %add3A_48, %dma_start3A_55] : memref<2x10000x128xf32, #tpu.memory_space<hbm>> -> memref<1x16x128xf32, #tpu.memory_space<hbm>>
        %dma_start3A_57 = tpu.memref_squeeze %dma_start3A_56 : memref<1x16x128xf32, #tpu.memory_space<hbm>> -> memref<16x128xf32, #tpu.memory_space<hbm>>
        tpu.enqueue_dma source(%arg16 : memref<16x128xf32, #tpu.memory_space<vmem>>) target(%dma_start3A_57 : memref<16x128xf32, #tpu.memory_space<hbm>>) target_semaphore(%run_scoped3A : memref<!tpu.dma_semaphore, #tpu.memory_space<semaphore_mem>>)
        %dma_wait3A = arith.constant 0 : i32
        %dma_wait3A_58 = tpu.memref_slice %arg7[%arg0, %add3A_48, %dma_wait3A] : memref<2x10000x128xf32, #tpu.memory_space<hbm>> -> memref<1x16x128xf32, #tpu.memory_space<hbm>>
        %dma_wait3A_59 = tpu.memref_squeeze %dma_wait3A_58 : memref<1x16x128xf32, #tpu.memory_space<hbm>> -> memref<16x128xf32, #tpu.memory_space<hbm>>
        %dma_wait3A_60 = arith.constant 0 : i32
        %dma_wait3A_61 = tpu.memref_slice %arg7[%arg0, %add3A_48, %dma_wait3A_60] : memref<2x10000x128xf32, #tpu.memory_space<hbm>> -> memref<1x16x128xf32, #tpu.memory_space<hbm>>
        %dma_wait3A_62 = tpu.memref_squeeze %dma_wait3A_61 : memref<1x16x128xf32, #tpu.memory_space<hbm>> -> memref<16x128xf32, #tpu.memory_space<hbm>>
        tpu.wait_dma2 semaphore(%run_scoped3A : memref<!tpu.dma_semaphore, #tpu.memory_space<semaphore_mem>>) src(%arg16 : memref<16x128xf32, #tpu.memory_space<vmem>>) dst(%dma_wait3A_62 : memref<16x128xf32, #tpu.memory_space<hbm>>)
        tpu.yield
      }) : () -> ()
      %scan3A_52 = arith.constant 1 : i32
    } else {
    }
    "tpu.region"() ({
      %run_scoped3A = tpu.sem_alloc : memref<!tpu.dma_semaphore, #tpu.memory_space<semaphore_mem>>
      %dma_start3A = arith.constant 0 : i32
      %dma_start3A_40 = arith.constant 0 : i32
      %dma_start3A_41 = tpu.memref_slice %arg8[%add3A, %dma_start3A, %dma_start3A_40] : memref<32x1x10000xf32, #tpu.memory_space<hbm>> -> memref<1x1x10000xf32, #tpu.memory_space<hbm>>
      %dma_start3A_42 = tpu.memref_squeeze %dma_start3A_41 : memref<1x1x10000xf32, #tpu.memory_space<hbm>> -> memref<1x10000xf32, #tpu.memory_space<hbm>>
      %dma_start3A_43 = arith.constant 0 : i32
      %dma_start3A_44 = arith.constant 0 : i32
      %dma_start3A_45 = tpu.memref_slice %arg8[%add3A, %dma_start3A_43, %dma_start3A_44] : memref<32x1x10000xf32, #tpu.memory_space<hbm>> -> memref<1x1x10000xf32, #tpu.memory_space<hbm>>
      %dma_start3A_46 = tpu.memref_squeeze %dma_start3A_45 : memref<1x1x10000xf32, #tpu.memory_space<hbm>> -> memref<1x10000xf32, #tpu.memory_space<hbm>>
      tpu.enqueue_dma source(%arg10 : memref<1x10000xf32, #tpu.memory_space<vmem>>) target(%dma_start3A_46 : memref<1x10000xf32, #tpu.memory_space<hbm>>) target_semaphore(%run_scoped3A : memref<!tpu.dma_semaphore, #tpu.memory_space<semaphore_mem>>)
      %dma_wait3A = arith.constant 0 : i32
      %dma_wait3A_47 = arith.constant 0 : i32
      %dma_wait3A_48 = tpu.memref_slice %arg8[%add3A, %dma_wait3A, %dma_wait3A_47] : memref<32x1x10000xf32, #tpu.memory_space<hbm>> -> memref<1x1x10000xf32, #tpu.memory_space<hbm>>
      %dma_wait3A_49 = tpu.memref_squeeze %dma_wait3A_48 : memref<1x1x10000xf32, #tpu.memory_space<hbm>> -> memref<1x10000xf32, #tpu.memory_space<hbm>>
      %dma_wait3A_50 = arith.constant 0 : i32
      %dma_wait3A_51 = arith.constant 0 : i32
      %dma_wait3A_52 = tpu.memref_slice %arg8[%add3A, %dma_wait3A_50, %dma_wait3A_51] : memref<32x1x10000xf32, #tpu.memory_space<hbm>> -> memref<1x1x10000xf32, #tpu.memory_space<hbm>>
      %dma_wait3A_53 = tpu.memref_squeeze %dma_wait3A_52 : memref<1x1x10000xf32, #tpu.memory_space<hbm>> -> memref<1x10000xf32, #tpu.memory_space<hbm>>
      tpu.wait_dma2 semaphore(%run_scoped3A : memref<!tpu.dma_semaphore, #tpu.memory_space<semaphore_mem>>) src(%arg10 : memref<1x10000xf32, #tpu.memory_space<vmem>>) dst(%dma_wait3A_53 : memref<1x10000xf32, #tpu.memory_space<hbm>>)
      tpu.yield
    }) : () -> ()
    return
  }
}

module attributes {stable_mosaic.version = 14 : i64} {
  func.func @_edge_tc(%arg0: i32, %arg1: memref<8000x16xf32, #tpu.memory_space<vmem>>, %arg2: memref<16x128xf32, #tpu.memory_space<vmem>>, %arg3: memref<1x384xf32, #tpu.memory_space<vmem>>, %arg4: memref<8000x1xf32, #tpu.memory_space<vmem>>, %arg5: memref<1x1xf32, #tpu.memory_space<vmem>>) attributes {dimension_semantics = [#tpu.dimension_semantics<arbitrary>], iteration_bounds = array<i64: 40>, scalar_prefetch = 0 : i64, scratch_operands = 0 : i64, tpu.core_type = #tpu.core_type<tc>, window_params = [{transform_indices = @transform_0, window_bounds = array<i64: 8000, 16>}, {pipeline_mode = #tpu.pipeline_mode<synchronous>, transform_indices = @transform_1, window_bounds = array<i64: 16, 128>}, {pipeline_mode = #tpu.pipeline_mode<synchronous>, transform_indices = @transform_2, window_bounds = array<i64: 1, 384>}, {transform_indices = @transform_3, window_bounds = array<i64: 8000, 1>}, {pipeline_mode = #tpu.pipeline_mode<synchronous>, transform_indices = @transform_4, window_bounds = array<i64: 1, 1>}]} {
    %get3A = arith.constant 0 : index
    %get3A_0 = arith.constant 256 : index
    %get3A_1 = vector.load %arg3[%get3A, %get3A_0] : memref<1x384xf32, #tpu.memory_space<vmem>>, vector<1x128xf32>
    %get3A_2 = vector.shape_cast %get3A_1 : vector<1x128xf32> to vector<128xf32>
    %get3A_3 = arith.constant 0 : index
    %get3A_4 = arith.constant 0 : index
    %get3A_5 = vector.load %arg2[%get3A_3, %get3A_4] : memref<16x128xf32, #tpu.memory_space<vmem>>, vector<16x128xf32>
    %broadcast_in_dim3A = vector.shape_cast %get3A_2 : vector<128xf32> to vector<1x128xf32>
    %mul3A = vector.broadcast %broadcast_in_dim3A : vector<1x128xf32> to vector<16x128xf32>
    %mul3A_6 = arith.mulf %get3A_5, %mul3A : vector<16x128xf32>
    %reduce_sum3A = arith.constant dense<0.000000e+00> : vector<16xf32>
    %reduce_sum3A_7 = vector.multi_reduction <add>, %mul3A_6, %reduce_sum3A [1] : vector<16x128xf32> to vector<16xf32>
    %get3A_8 = arith.constant 0 : index
    %get3A_9 = arith.constant 0 : index
    %get3A_10 = vector.load %arg1[%get3A_8, %get3A_9] : memref<8000x16xf32, #tpu.memory_space<vmem>>, vector<8000x16xf32>
    %broadcast_in_dim3A_11 = vector.shape_cast %reduce_sum3A_7 : vector<16xf32> to vector<1x16xf32>
    %mul3A_12 = vector.broadcast %broadcast_in_dim3A_11 : vector<1x16xf32> to vector<8000x16xf32>
    %mul3A_13 = arith.mulf %get3A_10, %mul3A_12 : vector<8000x16xf32>
    %reduce_sum3A_14 = arith.constant dense<0.000000e+00> : vector<8000xf32>
    %reduce_sum3A_15 = vector.multi_reduction <add>, %mul3A_13, %reduce_sum3A_14 [1] : vector<8000x16xf32> to vector<8000xf32>
    %broadcast_in_dim3A_16 = vector.shape_cast %reduce_sum3A_15 : vector<8000xf32> to vector<8000x1xf32>
    %swap3A = arith.constant 0 : index
    %swap3A_17 = arith.constant 0 : index
    %swap3A_18 = vector.load %arg4[%swap3A, %swap3A_17] : memref<8000x1xf32, #tpu.memory_space<vmem>>, vector<8000x1xf32>
    tpu.vector_store %arg4[%swap3A, %swap3A_17], %broadcast_in_dim3A_16 {strides = array<i32>} : memref<8000x1xf32, #tpu.memory_space<vmem>>, vector<8000x1xf32>,
    %eq3A = arith.constant 0 : i32
    %eq3A_19 = arith.cmpi eq, %arg0, %eq3A : i32
    %convert_element_type3A = arith.extui %eq3A_19 : i1 to i32
    %cond3A = arith.constant 0 : i32
    %cond3A_20 = arith.cmpi ne, %convert_element_type3A, %cond3A : i32
    scf.if %cond3A_20 {
      %broadcast_in_dim3A_31 = arith.constant 0xFF800000 : f32
      %broadcast_in_dim3A_32 = vector.broadcast %broadcast_in_dim3A_31 : f32 to vector<1x1xf32>
      %swap3A_33 = arith.constant 0 : index
      %swap3A_34 = arith.constant 0 : index
      %swap3A_35 = vector.load %arg5[%swap3A_33, %swap3A_34] : memref<1x1xf32, #tpu.memory_space<vmem>>, vector<1x1xf32>
      tpu.vector_store %arg5[%swap3A_33, %swap3A_34], %broadcast_in_dim3A_32 {strides = array<i32>} : memref<1x1xf32, #tpu.memory_space<vmem>>, vector<1x1xf32>,
    } else {
    }
    %get3A_21 = arith.constant 0 : index
    %get3A_22 = arith.constant 0 : index
    %get3A_23 = vector.load %arg5[%get3A_21, %get3A_22] : memref<1x1xf32, #tpu.memory_space<vmem>>, vector<1x1xf32>
    %reduce_max3A = vector.shape_cast %broadcast_in_dim3A_16 : vector<8000x1xf32> to vector<1x8000x1xf32>
    %reduce_max3A_24 = arith.constant dense<0xFF800000> : vector<1xf32>
    %reduce_max3A_25 = vector.multi_reduction <maximumf>, %reduce_max3A, %reduce_max3A_24 [1, 2] : vector<1x8000x1xf32> to vector<1xf32>
    %reduce_max3A_26 = vector.shape_cast %reduce_max3A_25 : vector<1xf32> to vector<1x1x1xf32>
    %reduce_max3A_27 = vector.extract %reduce_max3A_26[0, 0, 0] : f32 from vector<1x1x1xf32>
    %reshape3A = vector.broadcast %reduce_max3A_27 : f32 to vector<1x1xf32>
    %max3A = arith.maximumf %get3A_23, %reshape3A : vector<1x1xf32>
    %swap3A_28 = arith.constant 0 : index
    %swap3A_29 = arith.constant 0 : index
    %swap3A_30 = vector.load %arg5[%swap3A_28, %swap3A_29] : memref<1x1xf32, #tpu.memory_space<vmem>>, vector<1x1xf32>
    tpu.vector_store %arg5[%swap3A_28, %swap3A_29], %max3A {strides = array<i32>} : memref<1x1xf32, #tpu.memory_space<vmem>>, vector<1x1xf32>,
    return
  }
  func.func @transform_0(%arg0: i32) -> (i32, i32) {
    %c0_i32 = arith.constant 0 : i32
    %c0_i32_0 = arith.constant 0 : i32
    return %arg0, %c0_i32 : i32, i32
  }
  func.func @transform_1(%arg0: i32) -> (i32, i32) {
    %c0_i32 = arith.constant 0 : i32
    %c0_i32_0 = arith.constant 0 : i32
    %c0_i32_1 = arith.constant 0 : i32
    return %c0_i32, %c0_i32_0 : i32, i32
  }
  func.func @transform_2(%arg0: i32) -> (i32, i32) {
    %c0_i32 = arith.constant 0 : i32
    %c0_i32_0 = arith.constant 0 : i32
    %c0_i32_1 = arith.constant 0 : i32
    return %c0_i32, %c0_i32_0 : i32, i32
  }
  func.func @transform_3(%arg0: i32) -> (i32, i32) {
    %c0_i32 = arith.constant 0 : i32
    %c0_i32_0 = arith.constant 0 : i32
    return %arg0, %c0_i32 : i32, i32
  }
  func.func @transform_4(%arg0: i32) -> (i32, i32) {
    %c0_i32 = arith.constant 0 : i32
    %c0_i32_0 = arith.constant 0 : i32
    %c0_i32_1 = arith.constant 0 : i32
    return %c0_i32, %c0_i32_0 : i32, i32
  }
}

module attributes {stable_mosaic.version = 14 : i64} {
  func.func @_node_tc(%arg0: i32, %arg1: memref<1000x128xf32, #tpu.memory_space<vmem>>, %arg2: memref<128x128xf32, #tpu.memory_space<vmem>>, %arg3: memref<1x384xf32, #tpu.memory_space<vmem>>, %arg4: memref<1000x128xf32, #tpu.memory_space<vmem>>, %arg5: memref<1000x1xf32, #tpu.memory_space<vmem>>, %arg6: memref<1000x1xf32, #tpu.memory_space<vmem>>, %arg7: memref<1x2xf32, #tpu.memory_space<vmem>>) attributes {dimension_semantics = [#tpu.dimension_semantics<arbitrary>], iteration_bounds = array<i64: 10>, scalar_prefetch = 0 : i64, scratch_operands = 0 : i64, tpu.core_type = #tpu.core_type<tc>, window_params = [{transform_indices = @transform_0, window_bounds = array<i64: 1000, 128>}, {pipeline_mode = #tpu.pipeline_mode<synchronous>, transform_indices = @transform_1, window_bounds = array<i64: 128, 128>}, {pipeline_mode = #tpu.pipeline_mode<synchronous>, transform_indices = @transform_2, window_bounds = array<i64: 1, 384>}, {transform_indices = @transform_3, window_bounds = array<i64: 1000, 128>}, {transform_indices = @transform_4, window_bounds = array<i64: 1000, 1>}, {transform_indices = @transform_5, window_bounds = array<i64: 1000, 1>}, {pipeline_mode = #tpu.pipeline_mode<synchronous>, transform_indices = @transform_6, window_bounds = array<i64: 1, 2>}]} {
    %get3A = arith.constant 0 : index
    %get3A_0 = arith.constant 0 : index
    %get3A_1 = vector.load %arg1[%get3A, %get3A_0] : memref<1000x128xf32, #tpu.memory_space<vmem>>, vector<1000x128xf32>
    %get3A_2 = arith.constant 0 : index
    %get3A_3 = arith.constant 0 : index
    %get3A_4 = vector.load %arg2[%get3A_2, %get3A_3] : memref<128x128xf32, #tpu.memory_space<vmem>>, vector<128x128xf32>
    %dot_general3A = arith.constant dense<0.000000e+00> : vector<1000x128xf32>
    %dot_general3A_5 = tpu.matmul %get3A_1, %get3A_4, %dot_general3A {dimension_numbers = #tpu.dot_dimension_numbers<[1], [0], [0], [1], [0, 0, 1, 1], [], []>, transpose_lhs_hint = false} : vector<1000x128xf32>, vector<128x128xf32>, vector<1000x128xf32> -> vector<1000x128xf32>
    %swap3A = arith.constant 0 : index
    %swap3A_6 = arith.constant 0 : index
    %swap3A_7 = vector.load %arg4[%swap3A, %swap3A_6] : memref<1000x128xf32, #tpu.memory_space<vmem>>, vector<1000x128xf32>
    tpu.vector_store %arg4[%swap3A, %swap3A_6], %dot_general3A_5 {strides = array<i32>} : memref<1000x128xf32, #tpu.memory_space<vmem>>, vector<1000x128xf32>,
    %get3A_8 = arith.constant 0 : index
    %get3A_9 = arith.constant 0 : index
    %get3A_10 = vector.load %arg3[%get3A_8, %get3A_9] : memref<1x384xf32, #tpu.memory_space<vmem>>, vector<1x128xf32>
    %get3A_11 = vector.shape_cast %get3A_10 : vector<1x128xf32> to vector<128xf32>
    %get3A_12 = arith.constant 0 : index
    %get3A_13 = arith.constant 128 : index
    %get3A_14 = vector.load %arg3[%get3A_12, %get3A_13] : memref<1x384xf32, #tpu.memory_space<vmem>>, vector<1x128xf32>
    %get3A_15 = vector.shape_cast %get3A_14 : vector<1x128xf32> to vector<128xf32>
    %broadcast_in_dim3A = vector.shape_cast %get3A_11 : vector<128xf32> to vector<1x128xf32>
    %mul3A = vector.broadcast %broadcast_in_dim3A : vector<1x128xf32> to vector<1000x128xf32>
    %mul3A_16 = arith.mulf %dot_general3A_5, %mul3A : vector<1000x128xf32>
    %reduce_sum3A = arith.constant dense<0.000000e+00> : vector<1000xf32>
    %reduce_sum3A_17 = vector.multi_reduction <add>, %mul3A_16, %reduce_sum3A [1] : vector<1000x128xf32> to vector<1000xf32>
    %broadcast_in_dim3A_18 = vector.shape_cast %reduce_sum3A_17 : vector<1000xf32> to vector<1000x1xf32>
    %broadcast_in_dim3A_19 = vector.shape_cast %get3A_15 : vector<128xf32> to vector<1x128xf32>
    %mul3A_20 = vector.broadcast %broadcast_in_dim3A_19 : vector<1x128xf32> to vector<1000x128xf32>
    %mul3A_21 = arith.mulf %dot_general3A_5, %mul3A_20 : vector<1000x128xf32>
    %reduce_sum3A_22 = arith.constant dense<0.000000e+00> : vector<1000xf32>
    %reduce_sum3A_23 = vector.multi_reduction <add>, %mul3A_21, %reduce_sum3A_22 [1] : vector<1000x128xf32> to vector<1000xf32>
    %broadcast_in_dim3A_24 = vector.shape_cast %reduce_sum3A_23 : vector<1000xf32> to vector<1000x1xf32>
    %swap3A_25 = arith.constant 0 : index
    %swap3A_26 = arith.constant 0 : index
    %swap3A_27 = vector.load %arg5[%swap3A_25, %swap3A_26] : memref<1000x1xf32, #tpu.memory_space<vmem>>, vector<1000x1xf32>
    tpu.vector_store %arg5[%swap3A_25, %swap3A_26], %broadcast_in_dim3A_18 {strides = array<i32>} : memref<1000x1xf32, #tpu.memory_space<vmem>>, vector<1000x1xf32>,
    %swap3A_28 = arith.constant 0 : index
    %swap3A_29 = arith.constant 0 : index
    %swap3A_30 = vector.load %arg6[%swap3A_28, %swap3A_29] : memref<1000x1xf32, #tpu.memory_space<vmem>>, vector<1000x1xf32>
    tpu.vector_store %arg6[%swap3A_28, %swap3A_29], %broadcast_in_dim3A_24 {strides = array<i32>} : memref<1000x1xf32, #tpu.memory_space<vmem>>, vector<1000x1xf32>,
    %eq3A = arith.constant 0 : i32
    %eq3A_31 = arith.cmpi eq, %arg0, %eq3A : i32
    %convert_element_type3A = arith.extui %eq3A_31 : i1 to i32
    %cond3A = arith.constant 0 : i32
    %cond3A_32 = arith.cmpi ne, %convert_element_type3A, %cond3A : i32
    scf.if %cond3A_32 {
      %broadcast_in_dim3A_49 = arith.constant 0xFF800000 : f32
      %broadcast_in_dim3A_50 = vector.broadcast %broadcast_in_dim3A_49 : f32 to vector<1x2xf32>
      %swap3A_51 = arith.constant 0 : index
      %swap3A_52 = arith.constant 0 : index
      %swap3A_53 = vector.load %arg7[%swap3A_51, %swap3A_52] : memref<1x2xf32, #tpu.memory_space<vmem>>, vector<1x2xf32>
      tpu.vector_store %arg7[%swap3A_51, %swap3A_52], %broadcast_in_dim3A_50 {strides = array<i32>} : memref<1x2xf32, #tpu.memory_space<vmem>>, vector<1x2xf32>,
    } else {
    }
    %reduce_max3A = vector.shape_cast %broadcast_in_dim3A_18 : vector<1000x1xf32> to vector<1x1000x1xf32>
    %reduce_max3A_33 = arith.constant dense<0xFF800000> : vector<1xf32>
    %reduce_max3A_34 = vector.multi_reduction <maximumf>, %reduce_max3A, %reduce_max3A_33 [1, 2] : vector<1x1000x1xf32> to vector<1xf32>
    %reduce_max3A_35 = vector.shape_cast %reduce_max3A_34 : vector<1xf32> to vector<1x1x1xf32>
    %reduce_max3A_36 = vector.extract %reduce_max3A_35[0, 0, 0] : f32 from vector<1x1x1xf32>
    %reshape3A = vector.broadcast %reduce_max3A_36 : f32 to vector<1x1xf32>
    %reduce_max3A_37 = vector.shape_cast %broadcast_in_dim3A_24 : vector<1000x1xf32> to vector<1x1000x1xf32>
    %reduce_max3A_38 = arith.constant dense<0xFF800000> : vector<1xf32>
    %reduce_max3A_39 = vector.multi_reduction <maximumf>, %reduce_max3A_37, %reduce_max3A_38 [1, 2] : vector<1x1000x1xf32> to vector<1xf32>
    %reduce_max3A_40 = vector.shape_cast %reduce_max3A_39 : vector<1xf32> to vector<1x1x1xf32>
    %reduce_max3A_41 = vector.extract %reduce_max3A_40[0, 0, 0] : f32 from vector<1x1x1xf32>
    %reshape3A_42 = vector.broadcast %reduce_max3A_41 : f32 to vector<1x1xf32>
    %concatenate3A = tpu.concatenate %reshape3A, %reshape3A_42 in 1 : vector<1x1xf32>, vector<1x1xf32> -> vector<1x2xf32>
    %get3A_43 = arith.constant 0 : index
    %get3A_44 = arith.constant 0 : index
    %get3A_45 = vector.load %arg7[%get3A_43, %get3A_44] : memref<1x2xf32, #tpu.memory_space<vmem>>, vector<1x2xf32>
    %max3A = arith.maximumf %get3A_45, %concatenate3A : vector<1x2xf32>
    %swap3A_46 = arith.constant 0 : index
    %swap3A_47 = arith.constant 0 : index
    %swap3A_48 = vector.load %arg7[%swap3A_46, %swap3A_47] : memref<1x2xf32, #tpu.memory_space<vmem>>, vector<1x2xf32>
    tpu.vector_store %arg7[%swap3A_46, %swap3A_47], %max3A {strides = array<i32>} : memref<1x2xf32, #tpu.memory_space<vmem>>, vector<1x2xf32>,
    return
  }
  func.func @transform_0(%arg0: i32) -> (i32, i32) {
    %c0_i32 = arith.constant 0 : i32
    %c0_i32_0 = arith.constant 0 : i32
    return %arg0, %c0_i32 : i32, i32
  }
  func.func @transform_1(%arg0: i32) -> (i32, i32) {
    %c0_i32 = arith.constant 0 : i32
    %c0_i32_0 = arith.constant 0 : i32
    %c0_i32_1 = arith.constant 0 : i32
    return %c0_i32, %c0_i32_0 : i32, i32
  }
  func.func @transform_2(%arg0: i32) -> (i32, i32) {
    %c0_i32 = arith.constant 0 : i32
    %c0_i32_0 = arith.constant 0 : i32
    %c0_i32_1 = arith.constant 0 : i32
    return %c0_i32, %c0_i32_0 : i32, i32
  }
  func.func @transform_3(%arg0: i32) -> (i32, i32) {
    %c0_i32 = arith.constant 0 : i32
    %c0_i32_0 = arith.constant 0 : i32
    return %arg0, %c0_i32 : i32, i32
  }
  func.func @transform_4(%arg0: i32) -> (i32, i32) {
    %c0_i32 = arith.constant 0 : i32
    %c0_i32_0 = arith.constant 0 : i32
    return %arg0, %c0_i32 : i32, i32
  }
  func.func @transform_5(%arg0: i32) -> (i32, i32) {
    %c0_i32 = arith.constant 0 : i32
    %c0_i32_0 = arith.constant 0 : i32
    return %arg0, %c0_i32 : i32, i32
  }
  func.func @transform_6(%arg0: i32) -> (i32, i32) {
    %c0_i32 = arith.constant 0 : i32
    %c0_i32_0 = arith.constant 0 : i32
    %c0_i32_1 = arith.constant 0 : i32
    return %c0_i32, %c0_i32_0 : i32, i32
  }
}

module attributes {stable_mosaic.version = 14 : i64} {
  func.func @_exp_tc(%arg0: i32, %arg1: memref<2500x128xf32, #tpu.memory_space<vmem>>, %arg2: memref<1x2xf32, #tpu.memory_space<vmem>>, %arg3: memref<1x1xf32, #tpu.memory_space<vmem>>, %arg4: memref<2500x128xf32, #tpu.memory_space<vmem>>) attributes {dimension_semantics = [#tpu.dimension_semantics<arbitrary>], iteration_bounds = array<i64: 1>, scalar_prefetch = 0 : i64, scratch_operands = 0 : i64, tpu.core_type = #tpu.core_type<tc>, window_params = [{pipeline_mode = #tpu.pipeline_mode<synchronous>, transform_indices = @transform_0, window_bounds = array<i64: 2500, 128>}, {pipeline_mode = #tpu.pipeline_mode<synchronous>, transform_indices = @transform_1, window_bounds = array<i64: 1, 2>}, {pipeline_mode = #tpu.pipeline_mode<synchronous>, transform_indices = @transform_2, window_bounds = array<i64: 1, 1>}, {pipeline_mode = #tpu.pipeline_mode<synchronous>, transform_indices = @transform_3, window_bounds = array<i64: 2500, 128>}]} {
    %get3A = arith.constant 0 : index
    %get3A_0 = arith.constant 0 : index
    %get3A_1 = vector.load %arg2[%get3A, %get3A_0] : memref<1x2xf32, #tpu.memory_space<vmem>>, vector<1x1xf32>
    %get3A_2 = vector.extract %get3A_1[0, 0] : f32 from vector<1x1xf32>
    %get3A_3 = arith.constant 0 : index
    %get3A_4 = arith.constant 1 : index
    %get3A_5 = vector.load %arg2[%get3A_3, %get3A_4] : memref<1x2xf32, #tpu.memory_space<vmem>>, vector<1x1xf32>
    %get3A_6 = vector.extract %get3A_5[0, 0] : f32 from vector<1x1xf32>
    %add3A = arith.addf %get3A_2, %get3A_6 : f32
    %get3A_7 = arith.constant 0 : index
    %get3A_8 = arith.constant 0 : index
    %get3A_9 = vector.load %arg3[%get3A_7, %get3A_8] : memref<1x1xf32, #tpu.memory_space<vmem>>, vector<1x1xf32>
    %get3A_10 = vector.extract %get3A_9[0, 0] : f32 from vector<1x1xf32>
    %add3A_11 = arith.addf %add3A, %get3A_10 : f32
    %ge3A = arith.constant 0.000000e+00 : f32
    %ge3A_12 = arith.cmpf oge, %add3A_11, %ge3A : f32
    %mul3A = arith.constant 2.000000e-01 : f32
    %mul3A_13 = arith.mulf %add3A_11, %mul3A : f32
    %select_n3A = arith.select %ge3A_12, %add3A_11, %mul3A_13 : f32
    %get3A_14 = arith.constant 0 : index
    %get3A_15 = arith.constant 0 : index
    %get3A_16 = vector.load %arg1[%get3A_14, %get3A_15] : memref<2500x128xf32, #tpu.memory_space<vmem>>, vector<2500x128xf32>
    %sub3A = vector.broadcast %select_n3A : f32 to vector<2500x128xf32>
    %sub3A_17 = arith.subf %get3A_16, %sub3A : vector<2500x128xf32>
    %exp3A = math.exp %sub3A_17 : vector<2500x128xf32>
    %swap3A = arith.constant 0 : index
    %swap3A_18 = arith.constant 0 : index
    %swap3A_19 = vector.load %arg4[%swap3A, %swap3A_18] : memref<2500x128xf32, #tpu.memory_space<vmem>>, vector<2500x128xf32>
    tpu.vector_store %arg4[%swap3A, %swap3A_18], %exp3A {strides = array<i32>} : memref<2500x128xf32, #tpu.memory_space<vmem>>, vector<2500x128xf32>,
    return
  }
  func.func @transform_0(%arg0: i32) -> (i32, i32) {
    %c0_i32 = arith.constant 0 : i32
    %c0_i32_0 = arith.constant 0 : i32
    %c0_i32_1 = arith.constant 0 : i32
    return %c0_i32, %c0_i32_0 : i32, i32
  }
  func.func @transform_1(%arg0: i32) -> (i32, i32) {
    %c0_i32 = arith.constant 0 : i32
    %c0_i32_0 = arith.constant 0 : i32
    %c0_i32_1 = arith.constant 0 : i32
    return %c0_i32, %c0_i32_0 : i32, i32
  }
  func.func @transform_2(%arg0: i32) -> (i32, i32) {
    %c0_i32 = arith.constant 0 : i32
    %c0_i32_0 = arith.constant 0 : i32
    %c0_i32_1 = arith.constant 0 : i32
    return %c0_i32, %c0_i32_0 : i32, i32
  }
  func.func @transform_3(%arg0: i32) -> (i32, i32) {
    %c0_i32 = arith.constant 0 : i32
    %c0_i32_0 = arith.constant 0 : i32
    %c0_i32_1 = arith.constant 0 : i32
    return %c0_i32, %c0_i32_0 : i32, i32
  }
}

module attributes {stable_mosaic.version = 14 : i64} {
  func.func @_ssum_tc(%arg0: i32, %arg1: memref<32x1x10000xf32, #tpu.memory_space<vmem>>, %arg2: memref<1x10000xf32, #tpu.memory_space<vmem>>) attributes {dimension_semantics = [#tpu.dimension_semantics<arbitrary>], iteration_bounds = array<i64: 1>, scalar_prefetch = 0 : i64, scratch_operands = 0 : i64, tpu.core_type = #tpu.core_type<tc>, window_params = [{pipeline_mode = #tpu.pipeline_mode<synchronous>, transform_indices = @transform_0, window_bounds = array<i64: 32, 1, 10000>}, {pipeline_mode = #tpu.pipeline_mode<synchronous>, transform_indices = @transform_1, window_bounds = array<i64: 1, 10000>}]} {
    %get3A = arith.constant 0 : index
    %get3A_0 = arith.constant 0 : index
    %get3A_1 = arith.constant 0 : index
    %get3A_2 = vector.load %arg1[%get3A, %get3A_0, %get3A_1] : memref<32x1x10000xf32, #tpu.memory_space<vmem>>, vector<32x1x10000xf32>
    %get3A_3 = vector.shape_cast %get3A_2 : vector<32x1x10000xf32> to vector<32x10000xf32>
    %reduce_sum3A = arith.constant dense<0.000000e+00> : vector<10000xf32>
    %reduce_sum3A_4 = vector.multi_reduction <add>, %get3A_3, %reduce_sum3A [0] : vector<32x10000xf32> to vector<10000xf32>
    %broadcast_in_dim3A = vector.shape_cast %reduce_sum3A_4 : vector<10000xf32> to vector<1x10000xf32>
    %swap3A = arith.constant 0 : index
    %swap3A_5 = arith.constant 0 : index
    %swap3A_6 = vector.load %arg2[%swap3A, %swap3A_5] : memref<1x10000xf32, #tpu.memory_space<vmem>>, vector<1x10000xf32>
    tpu.vector_store %arg2[%swap3A, %swap3A_5], %broadcast_in_dim3A {strides = array<i32>} : memref<1x10000xf32, #tpu.memory_space<vmem>>, vector<1x10000xf32>,
    return
  }
  func.func @transform_0(%arg0: i32) -> (i32, i32, i32) {
    %c0_i32 = arith.constant 0 : i32
    %c0_i32_0 = arith.constant 0 : i32
    %c0_i32_1 = arith.constant 0 : i32
    %c0_i32_2 = arith.constant 0 : i32
    return %c0_i32, %c0_i32_0, %c0_i32_1 : i32, i32, i32
  }
  func.func @transform_1(%arg0: i32) -> (i32, i32) {
    %c0_i32 = arith.constant 0 : i32
    %c0_i32_0 = arith.constant 0 : i32
    %c0_i32_1 = arith.constant 0 : i32
    return %c0_i32, %c0_i32_0 : i32, i32
  }
}

module attributes {stable_mosaic.version = 14 : i64} {
  func.func @_final_tc(%arg0: i32, %arg1: memref<2x1000x128xf32, #tpu.memory_space<vmem>>, %arg2: memref<1000x1xf32, #tpu.memory_space<vmem>>, %arg3: memref<1x128xf32, #tpu.memory_space<vmem>>, %arg4: memref<1000x128xf32, #tpu.memory_space<vmem>>) attributes {dimension_semantics = [#tpu.dimension_semantics<arbitrary>], iteration_bounds = array<i64: 10>, scalar_prefetch = 0 : i64, scratch_operands = 0 : i64, tpu.core_type = #tpu.core_type<tc>, window_params = [{transform_indices = @transform_0, window_bounds = array<i64: 2, 1000, 128>}, {transform_indices = @transform_1, window_bounds = array<i64: 1000, 1>}, {pipeline_mode = #tpu.pipeline_mode<synchronous>, transform_indices = @transform_2, window_bounds = array<i64: 1, 128>}, {transform_indices = @transform_3, window_bounds = array<i64: 1000, 128>}]} {
    %get3A = arith.constant 0 : index
    %get3A_0 = arith.constant 0 : index
    %get3A_1 = arith.constant 0 : index
    %get3A_2 = vector.load %arg1[%get3A, %get3A_0, %get3A_1] : memref<2x1000x128xf32, #tpu.memory_space<vmem>>, vector<1x1000x128xf32>
    %get3A_3 = vector.shape_cast %get3A_2 : vector<1x1000x128xf32> to vector<1000x128xf32>
    %get3A_4 = arith.constant 1 : index
    %get3A_5 = arith.constant 0 : index
    %get3A_6 = arith.constant 0 : index
    %get3A_7 = vector.load %arg1[%get3A_4, %get3A_5, %get3A_6] : memref<2x1000x128xf32, #tpu.memory_space<vmem>>, vector<1x1000x128xf32>
    %get3A_8 = vector.shape_cast %get3A_7 : vector<1x1000x128xf32> to vector<1000x128xf32>
    %add3A = arith.addf %get3A_3, %get3A_8 : vector<1000x128xf32>
    %get3A_9 = arith.constant 0 : index
    %get3A_10 = arith.constant 0 : index
    %get3A_11 = vector.load %arg2[%get3A_9, %get3A_10] : memref<1000x1xf32, #tpu.memory_space<vmem>>, vector<1000x1xf32>
    %add3A_12 = arith.constant 1.000000e-16 : f32
    %add3A_13 = vector.broadcast %add3A_12 : f32 to vector<1000x1xf32>
    %add3A_14 = arith.addf %get3A_11, %add3A_13 : vector<1000x1xf32>
    %div3A = vector.broadcast %add3A_14 : vector<1000x1xf32> to vector<1000x128xf32>
    %div3A_15 = arith.divf %add3A, %div3A : vector<1000x128xf32>
    %get3A_16 = arith.constant 0 : index
    %get3A_17 = arith.constant 0 : index
    %get3A_18 = vector.load %arg3[%get3A_16, %get3A_17] : memref<1x128xf32, #tpu.memory_space<vmem>>, vector<1x128xf32>
    %add3A_19 = vector.broadcast %get3A_18 : vector<1x128xf32> to vector<1000x128xf32>
    %add3A_20 = arith.addf %div3A_15, %add3A_19 : vector<1000x128xf32>
    %swap3A = arith.constant 0 : index
    %swap3A_21 = arith.constant 0 : index
    %swap3A_22 = vector.load %arg4[%swap3A, %swap3A_21] : memref<1000x128xf32, #tpu.memory_space<vmem>>, vector<1000x128xf32>
    tpu.vector_store %arg4[%swap3A, %swap3A_21], %add3A_20 {strides = array<i32>} : memref<1000x128xf32, #tpu.memory_space<vmem>>, vector<1000x128xf32>,
    return
  }
  func.func @transform_0(%arg0: i32) -> (i32, i32, i32) {
    %c0_i32 = arith.constant 0 : i32
    %c0_i32_0 = arith.constant 0 : i32
    %c0_i32_1 = arith.constant 0 : i32
    return %c0_i32, %arg0, %c0_i32_0 : i32, i32, i32
  }
  func.func @transform_1(%arg0: i32) -> (i32, i32) {
    %c0_i32 = arith.constant 0 : i32
    %c0_i32_0 = arith.constant 0 : i32
    return %arg0, %c0_i32 : i32, i32
  }
  func.func @transform_2(%arg0: i32) -> (i32, i32) {
    %c0_i32 = arith.constant 0 : i32
    %c0_i32_0 = arith.constant 0 : i32
    %c0_i32_1 = arith.constant 0 : i32
    return %c0_i32, %c0_i32_0 : i32, i32
  }
  func.func @transform_3(%arg0: i32) -> (i32, i32) {
    %c0_i32 = arith.constant 0 : i32
    %c0_i32_0 = arith.constant 0 : i32
    return %arg0, %c0_i32 : i32, i32
  }
}

</mosaic_0001>

<sc_bundles>
// kernel: kernel.12.cloned.1.call-start
scs
__scs_entry_jumppad:
0x0: {  	(pc) =	sbr.rel $0x88, $3  }
0x1: {  	(tag) =	ssettag $0x0;
	lr =	simm.s32 $0x1  }
0x2: {  	[smem:$0x3F9A] =	sst lr;
	_ =	strace $0xD0000000  }
0x3: {  	_ = 	snop  }
0x4: {  	_ = 	snop  }
0x5: {  	_ = 	snop  }
0x6: {  	_ = 	snop  }
0x7: {  	_ = 	snop  }
__scs_overlays_trampoline_lowered:
0x8: {  	[smem:$0x3FA9] =	sst s0  }
0x9: {  	[smem:$0x3FAA] =	sst s1  }
0xa: {  	[smem:$0x3FAB] =	sst s2  }
0xb: {  	[smem:$0x3FAC] =	sst s3  }
0xc: {  	[smem:$0x3FAD] =	sst s4  }
0xd: {  	[smem:$0x3FAE] =	sst s5  }
0xe: {  	[smem:$0x3FAF] =	sst s6  }
0xf: {  	[smem:$0x3FB0] =	sst s7  }
0x10: {  	[smem:$0x3FB1] =	sst s8  }
0x11: {  	[smem:$0x3FB2] =	sst s9;
	s0 =	simm.s32 @!p0 $0x0  }
0x12: {  	s1 =	sld [smem:$0x3F98];
	s0 =	simm.s32 @p0 $0x1  }
0x13: {  	[smem:$0x3FB3] =	sst s0;
	s0 =	simm.s32 @!p1 $0x0  }
0x14: {  	s2 =	sld [smem:$0x3F97];
	s0 =	simm.s32 @p1 $0x1  }
0x15: {  	[smem:$0x3FB4] =	sst s0;
	s0 =	simm.s32 @!p2 $0x0  }
0x16: {  	s3 =	sld [smem:$0x3FDB];
	s0 =	simm.s32 @p2 $0x1  }
0x17: {  	s4 =	simm.s32 $0x1BF5;
	[smem:$0x3FB6] =	sst s0  }
0x18: {  	s0 =	sld [smem:$0x3F99];
	_ =	swait.ge [sflag:s4], $0x0  }
0x19: {  	s7 =	sld [smem:$0x3F9A]  }
0x1a: {  	s8 =	sadd.s32 $0xFFFFE003, lr  }
0x1b: {  	s9 =	sadd.s32 $0xFFFFFEF7, lr;
	s5 =	simm.s32 $0xFFFFFFFF;
	p2 =	slt.u32 s8, $0xFFFFF086  }
0x1c: {  	p1 =	slt.u32 s9, $0xF7A;
	s5 =	simm.s32 @!p2 $0x0  }
0x1d: {  	s5 =	simm.s32 @p1 $0x1;
	p0 =	seq.s32 s7, s2  }
0x1e: {  	s7 =	smul.u32 @!p0 $0xF7A, s2;
	p2 =	seq.s32 @!p0 s5, $0x0  }
0x1f: {  	s9 =	smul.u32 $0xF7A, s1;
	s8 =	simm.s32 @!p0 $0x1BF5;
	p2 =	por !p2, p0  }
0x20: {  	[sflag:s8] =	ssyncset.s32 @!p0 $0xFFFFF086;
	s6 =	sadd.s32 @!p0 s3, s7;
	s7 =	simm.s32 @!p0 $0x108  }
0x21: {  	s3 =	sadd.s32 s3, s9;
	s6 =	sadd.s32 @!p0 $0x88, s6;
	s7 =	simm.s32 @p2 $0x1082  }
0x22: {  	[simem:s7], [sflag:s8] =	dma.local @!p0 [hbm:s6], $0xF7A  }
0x23: {  	s9 =	sor.u32 $0xD0000000, s2;
	s6 =	simm.s32 $0x108;
	_ =	swait.ge @!p0 [sflag:s8], $0x0  }
0x24: {  	s3 =	sadd.s32 $0x88, s3;
	s6 =	simm.s32 @!p1 $0x1082;
	[sflag:s4] =	ssyncset.s32 $0xFFFFF086  }
0x25: {  	[simem:s6], [sflag:s4] =	dma.local [hbm:s3], $0xF7A  }
0x26: {  	[smem:$0x3F9A] =	sst s1;
	(tag) =	ssettag s2;
	_ =	strace s9  }
0x27: {  	s1 =	sld [smem:$0x3FAA]  }
0x28: {  	s2 =	sld [smem:$0x3FAB]  }
0x29: {  	s4 =	sld [smem:$0x3FAD]  }
0x2a: {  	p0 =	seq.s32 s5, $0x0;
	s5 =	sld [smem:$0x3FAE]  }
0x2b: {  	s6 =	sld [smem:$0x3FAF]  }
0x2c: {  	s7 =	sld [smem:$0x3FB0]  }
0x2d: {  	s3 =	simm.s32 $0x108;
	s8 =	sld [smem:$0x3FB1]  }
0x2e: {  	s3 =	simm.s32 @!p0 $0x1082;
	s9 =	sld [smem:$0x3FB2]  }
0x2f: {  	lr =	sadd.s32 s0, s3;
	s0 =	sld [smem:$0x3FA9]  }
0x30: {  	s3 =	sld [smem:$0x3FAC]  }
0x31: {  	[smem:$0x3FB5] =	sst s10  }
0x32: {  	s10 =	sld [smem:$0x3FB3];
	_ =	sdelay $0x3  }
0x33: {  	p0 =	seq.s32 s10, $0x1;
	s10 =	sld [smem:$0x3FB5];
	_ =	sdelay $0x3  }
0x34: {  	[smem:$0x3FB5] =	sst s10  }
0x35: {  	s10 =	sld [smem:$0x3FB4];
	_ =	sdelay $0x3  }
0x36: {  	p1 =	seq.s32 s10, $0x1;
	s10 =	sld [smem:$0x3FB5];
	_ =	sdelay $0x3  }
0x37: {  	[smem:$0x3FB5] =	sst s10  }
0x38: {  	s10 =	sld [smem:$0x3FB6]  }
0x39: {  	_ = 	snop;
	(pc) =	sbr.ind lr, $3  }
0x3a: {  	_ = 	snop  }
0x3b: {  	_ = 	snop  }
0x3c: {  	p2 =	seq.s32 s10, $0x1;
	s10 =	sld [smem:$0x3FB5]  }
0x3d: {  	_ =	shalt  }
0x3e: {  	_ =	shalt  }
0x3f: {  	_ =	shalt  }
0x40: {  	_ =	shalt  }
0x41: {  	_ =	shalt  }
0x42: {  	_ =	shalt  }
0x43: {  	_ =	shalt  }
0x44: {  	_ =	shalt  }
0x45: {  	_ =	shalt  }
0x46: {  	_ =	shalt  }
0x47: {  	_ =	shalt  }
0x48: {  	_ =	shalt  }
0x49: {  	_ =	shalt  }
0x4a: {  	_ =	shalt  }
0x4b: {  	_ =	shalt  }
0x4c: {  	_ =	shalt  }
0x4d: {  	_ =	shalt  }
0x4e: {  	_ =	shalt  }
0x4f: {  	_ =	shalt  }
0x50: {  	_ =	shalt  }
0x51: {  	_ =	shalt  }
0x52: {  	_ =	shalt  }
0x53: {  	_ =	shalt  }
0x54: {  	_ =	shalt  }
0x55: {  	_ =	shalt  }
0x56: {  	_ =	shalt  }
0x57: {  	_ =	shalt  }
0x58: {  	_ =	shalt  }
0x59: {  	_ =	shalt  }
0x5a: {  	_ =	shalt  }
0x5b: {  	_ =	shalt  }
0x5c: {  	_ =	shalt  }
0x5d: {  	_ =	shalt  }
0x5e: {  	_ =	shalt  }
0x5f: {  	_ =	shalt  }
0x60: {  	_ =	shalt  }
0x61: {  	_ =	shalt  }
0x62: {  	_ =	shalt  }
0x63: {  	_ =	shalt  }
0x64: {  	_ =	shalt  }
0x65: {  	_ =	shalt  }
0x66: {  	_ =	shalt  }
0x67: {  	_ =	shalt  }
0x68: {  	_ =	shalt  }
0x69: {  	_ =	shalt  }
0x6a: {  	_ =	shalt  }
0x6b: {  	_ =	shalt  }
0x6c: {  	_ =	shalt  }
0x6d: {  	_ =	shalt  }
0x6e: {  	_ =	shalt  }
0x6f: {  	_ =	shalt  }
0x70: {  	_ =	shalt  }
0x71: {  	_ =	shalt  }
0x72: {  	_ =	shalt  }
0x73: {  	_ =	shalt  }
0x74: {  	_ =	shalt  }
0x75: {  	_ =	shalt  }
0x76: {  	_ =	shalt  }
0x77: {  	_ =	shalt  }
0x78: {  	_ =	shalt  }
0x79: {  	_ =	shalt  }
0x7a: {  	_ =	shalt  }
0x7b: {  	_ =	shalt  }
0x7c: {  	_ =	shalt  }
0x7d: {  	_ =	shalt  }
0x7e: {  	_ =	shalt  }
0x7f: {  	_ =	shalt  }
0x80: {  	_ =	shalt  }
0x81: {  	_ =	shalt  }
0x82: {  	_ =	shalt  }
0x83: {  	_ =	shalt  }
0x84: {  	_ =	shalt  }
0x85: {  	_ =	shalt  }
0x86: {  	_ =	shalt  }
0x87: {  	_ =	shalt  }
.Lfunc_end0:
.L_simem_size_0:
called_computation.1_lowered:
.L_overlay_start_0:
0x88: {  	s2 =	sld [smem:$0x3FD9]  }
0x89: {  	s3 =	sld [smem:$0x3FFE];
	_ =	sdelay $0x1  }
0x8a: {  	s1 =	srdreg.scid  }
0x8b: {  	s0 =	sand.u32 $0x1, s1  }
0x8c: {  	s17 =	sshll.u32 s0, $0xA;
	s2 =	sadd.s32 s3, s2  }
0x8d: {  	s2 =	sadd.s32 s2, s17  }
0x8e: {  	[smem:$0x3FC1] =	sst s2  }
0x8f: {  	_ = 	snop  }
0x90: {  	s2 =	sld [smem:$0x3FD0];
	(tm) =	ssettm $0x1  }
0x91: {  	s18 =	sld [smem:$0x3FFB];
	_ =	sdelay $0x3  }
0x92: {  	_ =	strace s18  }
0x93: {  	s3 =	sld [smem:$0x3FFC];
	_ =	sdelay $0x3  }
0x94: {  	_ =	strace s3  }
0x95: {  	s3 =	sld [smem:$0x3FFD];
	_ =	sdelay $0x3  }
0x96: {  	_ =	strace s3  }
0x97: {  	_ =	strace $0x8FFFFFFF  }
0x98: {  	s19 =	sld [smem:$0x3FDB];
	_ =	sdelay $0x1  }
0x99: {  	s4 =	simm.s32 $_scs_section_size  }
0x9a: {  	s5 =	simm.s32 $_size__tile_overlayer_lowered;
	s6 =	simm.s32 $_tile_overlayer_lowered  }
0x9b: {  	s22 =	simm.s32 $0x1BFF;
	s21 =	sshll.u32 s6, $0x1;
	s3 =	sadd.s32 s4, s19  }
0x9c: {  	s7 =	simm.s32 $0x0;
	s20 =	sshll.u32 s5, $0x1;
	s5 =	sadd.s32 s21, s3  }
0x9d: {  	[timem:s7], [sflag:s22] =	dma.local [hbm:s5], s20  }
0x9e: {  	_ =	swait.ge [sflag:s22], s20  }
0x9f: {  	s4 =	ssub.s32 $0x0, s20;
	[sflag:s22] =	ssyncset.done $0x0  }
0xa0: {  	[sflag:s22] =	ssyncadd.s32 s4;
	_ =	sdelay $0x1  }
0xa1: {  	s23 =	simm.s32 $0x1B8B  }
0xa2: {  	_ =	swait.ge [sflag:s23], $0x1  }
0xa3: {  	[sflag:s23] =	ssyncset.done $0x0  }
0xa4: {  	s25 =	simm.s32 $0x1B8E;
	s24 =	sld [smem:$0x3FFE];
	[sflag:s23] =	ssyncadd.s32 $0xFFFFFFFF  }
0xa5: {  	s26 =	simm.s32 $execute0_lowered;
	[smem:$0x3FD2] =	sst s25  }
0xa6: {  	s5 =	sshll.u32 s26, $0x1;
	_ =	strace $0x80000049;
	[dreg:$0x1] =	wrdreg $0xFFFFFFFF  }
0xa7: {  	s28 =	simm.s32 $_size_execute0_lowered;
	s3 =	sadd.s32 s3, s5;
	[dreg:$0x0] =	wrdreg $0x0  }
0xa8: {  	s5 =	sshll.u32 s28, $0x1;
	[dreg:$0x2] =	wrdreg s3  }
0xa9: {  	[dreg:$0x3] =	wrdreg s5  }
0xaa: {  	[dreg:$0x4] =	wrdreg $0xC0  }
0xab: {  	_ =	task [dreg:s7], $0x5FFFF  }
0xac: {  	[dreg:$0x1] =	wrdreg $0xFFFFFFFF  }
0xad: {  	[dreg:$0x0] =	wrdreg $0x60  }
0xae: {  	[dreg:$0x2] =	wrdreg s24  }
0xaf: {  	[dreg:$0x3] =	wrdreg s2  }
0xb0: {  	[dreg:$0x4] =	wrdreg $0x0  }
0xb1: {  	[dreg:$0x5] =	wrdreg $0x9  }
0xb2: {  	_ =	task.clear_ibuf [dreg:s7], $0x6FFFF;
	_ =	strace $0x90000049  }
0xb3: {  	s29 =	simm.s32 $0x9;
	_ =	strace $0x8000004B  }
0xb4: {  	_ =	swait.ge [sflag:s29], $0x1  }
0xb5: {  	[sflag:s29] =	ssyncadd.s32 $0xFFFFFFFF  }
0xb6: {  	_ =	strace $0x9000004B  }
0xb7: {  	_ =	sfence  }
0xb8: {  	s30 =	sld [smem:$0x0];
	_ =	sdelay $0x2  }
0xb9: {  	s31 =	sshll.u32 s1, $0xD;
	s1 =	sshrl.u32 s1, $0x2  }
0xba: {  	s3 =	sand.u32 $0x4000, s31;
	s1 =	sadd.s32 s1, s30  }
0xbb: {  	s0 =	sor.u32 s3, s0;
	s1 =	sshll.u32 s1, $0x11  }
0xbc: {  	s0 =	sor.u32 s1, s0  }
0xbd: {  	s0 =	sadd.s32 $0x8F2B, s0  }
0xbe: {  	[sflag:s0] =	ssyncadd.remote.s32 $0x1  }
0xbf: {  	_ =	sfence.sel $0xFFFF  }
0xc0: {  	[dreg:$0x0] =	wrdreg $0xFFFFFFFF;
	(pc) =	sbr.abs _section_cstart, $3  }
0xc1: {  	[dreg:$0x1] =	wrdreg $0xFFFFFFFF  }
0xc2: {  	_ =	task.clear_ibuf [dreg:s7], $0x2FFFF;
	_ =	strace $0x9FFFFFFF  }
0xc3: {  	(tm) =	ssettm $0x7FFFFFFF  }
tec
execute0_lowered:
.L_overlay_start_1:
0x0: {  	(tag) =	ssettag $0x1  }
0x1: {  	s0 =	rddreg [dreg:$0x0]  }
0x2: {  	s1 =	rddreg [dreg:$0x1]  }
0x3: {  	s2 =	rddreg [dreg:$0x2];
	s3 =	srdreg.scid;
	s4 =	simm.s32 $0x0  }
0x4: {  	s21 =	stileid.u32;
	s16 =	simm.s32 $0x13880;
	s17 =	simm.s32 $0x10  }
0x5: {  	s18 =	simm.s32 $0x1C000;
	s19 =	simm.s32 $0x1B800;
	s20 =	simm.s32 $0x2  }
0x6: {  	s22 =	simm.s32 $0x18000;
	s23 =	simm.s32 $0x17000;
	s24 =	simm.s32 $0x18800  }
0x7: {  	s25 =	simm.s32 $0x50;
	s26 =	simm.s32 $0x19000;
	s28 =	simm.s32 $0x1  }
0x8: {  	s30 =	simm.s32 $0x0;
	s3 =	sand.u32 $0x1, s3;
	[smem:$0x7FF] =	sst s4  }
0x9: {  	s5 =	sadd.s32 $0x3D600, s0;
	s7 =	sadd.s32 $0x51600, s0;
	s8 =	sadd.s32 $0xE00, s0  }
0xa: {  	s12 =	sadd.s32 $0x65600, s0;
	s15 =	smul.u32 $0x13800, s21;
	s6 =	sshll.u32 s3, $0x4  }
0xb: {  	s13 =	smul.u32 $0x138800, s3;
	s3 =	ssub.s32 $0x2, s3;
	s11 =	sor.u32 s21, s6  }
0xc: {  	p0 =	sne.s32 s21, $0xF;
	s10 =	sshrl.u32 s3, $0x1;
	s9 =	smul.u32 $0x4F0, s11  }
0xd: {  	_ =	strace $0x8000004A;
	s3 =	ssub.s32 s3, s10;
	s10 =	smul.u32 $0x5000, s11  }
0xe: {  	s6 =	sadd.s32 $0x14A00, s0;
	s14 =	sshrl.u32 s13, $0x3;
	s11 =	smul.u32 $0x2800, s11  }
0xf: {  	s13 =	sadd.s32 s15, s13;
	s14 =	sadd.s32 s12, s14;
	s29 =	smax.u32 s3, $0x1  }
0x10: {  	s0 =	sadd.s32 s9, s0;
	s14 =	sadd.s32 $0x27000, s14;
	[dreg:$0x6] =	wrdreg s29  }
0x11: {  	s31 =	sshrl.u32 s13, $0x3;
	[dreg:$0x4] =	wrdreg s14;
	s0 =	sadd.s32 $0x1EA00, s0  }
0x12: {  	s9 =	smul.u32 $0x270, s21;
	[dreg:$0x5] =	wrdreg s0;
	s0 =	sadd.s32 s31, s12  }
0x13: {  	v0 =	vimm.f32 $0.0e+00;
	v1 =	vlaneseq.u32;
	s3 =	simm.s32 $0x0;
	s21 =	simm.s32 $0x16000;
	[dreg:$0x7] =	wrdreg s0  }
.LBB2_1:
0x14: {  	[dreg:$0x8] =	wrdreg s3;
	s0 =	simm.s32 $0x0;
	s3 =	simm.s32 $0x200  }
.LBB2_2:
0x15: {  	p1 =	sne.s32 s3, $0x1E00;
	[tilespmem:s0+$0x1B870] =	vst v0  }
0x16: {  	[tilespmem:s0+$0x1B800] =	vst v0  }
0x17: {  	[tilespmem:s0+$0x1B810] =	vst v0  }
.Ltmp0:
0x18: {  	[tilespmem:s0+$0x1B820] =	vst v0;
	(pc) =	sbr.rel @p1 .LBB2_2-.Ltmp0, $4  }
0x19: {  	[tilespmem:s0+$0x1B830] =	vst v0  }
0x1a: {  	[tilespmem:s0+$0x1B840] =	vst v0  }
0x1b: {  	[tilespmem:s0+$0x1B850] =	vst v0  }
0x1c: {  	[tilespmem:s0+$0x1B860] =	vst v0;
	s0 =	sshra.s32 s3, $0x2;
	s3 =	sadd.s32 $0x200, s3  }
0x1d: {  	[tilespmem:s0+$0x1B870] =	vst v0  }
0x1e: {  	[tilespmem:s0+$0x1B800] =	vst v0  }
0x1f: {  	[tilespmem:s0+$0x1B810] =	vst v0  }
0x20: {  	[tilespmem:s0+$0x1B820] =	vst v0  }
0x21: {  	[tilespmem:s0+$0x1B830] =	vst v0  }
0x22: {  	[tilespmem:s0+$0x1B840] =	vst v0  }
0x23: {  	[tilespmem:s0+$0x1B850] =	vst v0;
	s3 =	simm.s32 $0x0  }
0x24: {  	[tilespmem:s0+$0x1B860] =	vst v0;
	s0 =	simm.s32 $0x10;
	v2 =	vor.u32 s3, v1  }
.LBB2_4:
0x25: {  	p1 =	sne.s32 s0, $0x2700  }
.Ltmp1:
0x26: {  	_ = 	snop;
	(pc) =	sbr.rel @p1 .LBB2_4-.Ltmp1, $3  }
0x27: {  	_ =	sdelay $0x1  }
0x28: {  	[tilespmem:v2+s16+$0x0] =	vst.idx.msk $0xffff, v0;
	s3 =	smov.u32 s0;
	s0 =	sadd.s32 $0x10, s0  }
0x29: {  	v2 =	vor.u32 s3, v1  }
0x2a: {  	_ =	sdelay $0x2  }
0x2b: {  	s0 =	sadd.s32 $0x0, s9  }
0x2c: {  	[tilespmem:v2+s16+$0x0] =	vst.idx.msk $0xffff, v0;
	v2 =	vor.u32 s0, v1  }
0x2d: {  	[tilespmem:$0x1C000] =	vst v2  }
0x2e: {  	[spmem:s2] =	stream.indirect.scatter [tilespmem:s19], [sflag:$0x2], $0x80, s18, s17, $0xb8;
	[tilespmem:$0x1C080] =	vst v63  }
0x2f: {  	s0 =	simm.s32 $0x10;
	_ =	swait.ge [sflag:s20], $0x800  }
.LBB2_6:
0x30: {  	s3 =	sadd.s32 s0, s9;
	[sflag:s20] =	ssyncset.done $0x0;
	p1 =	sne.s32 s0, $0x260  }
.Ltmp2:
0x31: {  	v2 =	vor.u32 s3, v1;
	[sflag:s20] =	ssyncadd.s32 $0xFFFFF800;
	(pc) =	sbr.rel @p1 .LBB2_6-.Ltmp2, $4  }
0x32: {  	[tilespmem:$0x1C000] =	vst v2  }
0x33: {  	s0 =	sadd.s32 $0x10, s0  }
0x34: {  	[spmem:s2] =	stream.indirect.scatter [tilespmem:s19], [sflag:$0x2], $0x80, s18, s17, $0xb8;
	[tilespmem:$0x1C080] =	vst v63  }
0x35: {  	_ =	swait.ge [sflag:s20], $0x800  }
0x36: {  	[sflag:s20] =	ssyncset.done $0x0;
	v2 =	vlaneseq.u32 @!p0  }
0x37: {  	[sflag:s20] =	ssyncadd.s32 $0xFFFFF800;
	v2 =	vor.u32 @!p0 $0x2700, v2  }
0x38: {  	s0 =	simm.s32 @!p0 $0x10;
	s3 =	simm.s32 @!p0 $0x1C000;
	s12 =	simm.s32 @!p0 $0x1B800;
	[tilespmem:$0x1C000] =	vst @!p0 v2  }
0x39: {  	[spmem:s2] =	stream.indirect.scatter @!p0 [tilespmem:s12], [sflag:$0x2], $0x80, s3, s0, $0xb8;
	[tilespmem:$0x1C080] =	vst v63  }
0x3a: {  	s0 =	simm.s32 @!p0 $0x2  }
0x3b: {  	_ =	swait.ge @!p0 [sflag:s0], $0x800  }
0x3c: {  	[sflag:s0] =	ssyncset.done @!p0 $0x0  }
0x3d: {  	[sflag:s0] =	ssyncadd.s32 @!p0 $0xFFFFF800  }
0x3e: {  	s31 =	simm.s32 $0x0;
	[bflag:$0x0] =	sbarrier.arrive $0xFFFF  }
.LBB2_8:
0x3f: {  	s0 =	sshll.u32 s31, $0xC  }
0x40: {  	s0 =	sadd.s32 s10, s0  }
0x41: {  	s0 =	sshrl.u32 s0, $0x3  }
0x42: {  	s14 =	sshll.u32 s31, $0xB;
	s3 =	sadd.s32 s5, s0  }
0x43: {  	[tilespmem:s21], [sflag:$0x2] =	stream.linear.gather [hbm4b:s3+s30], $0xC80, $0x38;
	[tilespmem:$0x1C080] =	vst v63  }
0x44: {  	s3 =	sadd.s32 s11, s14;
	_ =	swait.ge [sflag:s20], $0xC80  }
0x45: {  	s3 =	sshrl.u32 s3, $0x3;
	[sflag:s20] =	ssyncset.done $0x0  }
0x46: {  	s12 =	sadd.s32 s6, s3;
	[sflag:s20] =	ssyncadd.s32 $0xFFFFF380  }
0x47: {  	[tilespmem:s22], [sflag:$0x2] =	stream.linear.gather [hbm4b:s12+s30], $0x800, $0x38;
	[tilespmem:$0x1C080] =	vst v63  }
0x48: {  	_ =	swait.ge [sflag:s20], $0x800  }
0x49: {  	[sflag:s20] =	ssyncset.done $0x0  }
0x4a: {  	s0 =	sadd.s32 s7, s0;
	[sflag:s20] =	ssyncadd.s32 $0xFFFFF800  }
0x4b: {  	[tilespmem:s23], [sflag:$0x2] =	stream.linear.gather [hbm4b:s0+s30], $0xC80, $0x38;
	[tilespmem:$0x1C080] =	vst v63  }
0x4c: {  	_ =	swait.ge [sflag:s20], $0xC80  }
0x4d: {  	[sflag:s20] =	ssyncset.done $0x0  }
0x4e: {  	v3 =	vor.u32 s30, v1;
	s15 =	sadd.s32 s8, s3;
	[sflag:s20] =	ssyncadd.s32 $0xFFFFF380  }
0x4f: {  	[tilespmem:s24], [sflag:$0x2] =	stream.linear.gather [hbm4b:s15+s30], $0x800, $0x38;
	[tilespmem:$0x1C080] =	vst v63  }
0x50: {  	_ =	swait.ge [sflag:s20], $0x800  }
0x51: {  	[sflag:s20] =	ssyncset.done $0x0  }
0x52: {  	[sflag:s20] =	ssyncadd.s32 $0xFFFFF800  }
0x53: {  	v2 =	vld.idx.msk [tilespmem:v3+s22+$0x0], $0xffff;
	_ =	sdelay $0x2  }
0x54: {  	s29 =	simm.s32 $0x10;
	v4 =	vld.idx.msk [tilespmem:v3+s24+$0x0], $0xffff  }
0x55: {  	s0 =	simm.s32 $0x20;
	v3 =	vor.u32 s29, v1  }
.LBB2_9:
0x56: {  	p1 =	sne.s32 s0, $0x7C0;
	_ =	sdelay $0x2  }
0x57: {  	[tilespmem:v2+s16+$0x0] =	vst.idx.add.f32.msk $0xffff, v4  }
.Ltmp3:
0x58: {  	v2 =	vld.idx.msk [tilespmem:v3+s22+$0x0], $0xffff;
	(pc) =	sbr.rel @p1 .LBB2_9-.Ltmp3, $3  }
0x59: {  	_ = 	snop  }
0x5a: {  	v4 =	vld.idx.msk [tilespmem:v3+s24+$0x0], $0xffff;
	_ =	sdelay $0x1  }
0x5b: {  	v3 =	vor.u32 s0, v1;
	s0 =	sadd.s32 $0x10, s0  }
0x5c: {  	_ =	sdelay $0x3  }
0x5d: {  	[tilespmem:v2+s16+$0x0] =	vst.idx.add.f32.msk $0xffff, v4  }
0x5e: {  	v2 =	vld.idx.msk [tilespmem:v3+s22+$0x0], $0xffff;
	_ =	sdelay $0x2  }
0x5f: {  	v3 =	vld.idx.msk [tilespmem:v3+s24+$0x0], $0xffff;
	_ =	sdelay $0x4  }
0x60: {  	s0 =	simm.s32 $0x0;
	s3 =	simm.s32 $0x0;
	[tilespmem:v2+s16+$0x0] =	vst.idx.add.f32.msk $0xffff, v3  }
.LBB2_11:
0x61: {  	s12 =	sshll.u32 s3, $0x7  }
0x62: {  	s13 =	sadd.s32 $0x17000, s12  }
0x63: {  	[tilespmem:s26], [sflag:$0x1] =	stream.indirect.gather [hbm4b:s1+s25], $0x80, s13, s25, $0xb8;
	[tilespmem:$0x1C080] =	vst v63  }
0x64: {  	s29 =	sadd.s32 $0x0, s0;
	_ =	swait.ge [sflag:s28], $0x2800  }
0x65: {  	v2 =	vmov s29;
	[sflag:s28] =	ssyncset.done $0x0  }
0x66: {  	s13 =	simm.s32 $0x19040;
	[sflag:s28] =	ssyncadd.s32 $0xFFFFD800  }
0x67: {  	v6 =	vld [tilespmem:s13+$0x30]  }
0x68: {  	v9 =	vld [tilespmem:s13+$0x10]  }
0x69: {  	v7 =	vld [tilespmem:s13+$0xFFFFFFC0]  }
0x6a: {  	v3 =	vld.idx.msk [tilespmem:v2+s24+$0x0], $0xffff  }
0x6b: {  	v11 =	vld [tilespmem:s13+$0xFFFFFFE0]  }
0x6c: {  	v2 =	vld [tilespmem:s13+$0xFFFFFFF0]  }
0x6d: {  	v4 =	vld [tilespmem:s13+$0x20]  }
0x6e: {  	v5 =	vld [tilespmem:s13+$0xFFFFFFD0]  }
0x6f: {  	v10 =	vmul.f32 v6, v3;
	v6 =	vld [tilespmem:s13+$0x0]  }
0x70: {  	v8 =	vmul.f32 v7, v3  }
0x71: {  	s14 =	simm.s32 $0x1;
	s15 =	simm.s32 $0x19040;
	v7 =	vmul.f32 v11, v3;
	v9 =	vmul.f32 v9, v3  }
.LBB2_12:
0x72: {  	p1 =	sne.s32 s14, $0x4F  }
0x73: {  	v5 =	vmul.f32 v5, v3;
	v4 =	vmul.f32 v4, v3;
	[tilespmem:s13+$0x30] =	vst v10;
	s15 =	sadd.s32 $0x80, s15;
	s29 =	smov.u32 s14;
	s14 =	sadd.s32 $0x1, s14  }
0x74: {  	[tilespmem:s13+$0xFFFFFFC0] =	vst v8;
	v8 =	vmul.f32 v2, v3;
	v3 =	vmul.f32 v6, v3  }
0x75: {  	s29 =	sadd.s32 s29, s0;
	[tilespmem:s13+$0x10] =	vst v9  }
0x76: {  	v6 =	vmov s29;
	[tilespmem:s13+$0xFFFFFFE0] =	vst v7  }
0x77: {  	v2 =	vld [tilespmem:s15+$0xFFFFFFF0];
	[tilespmem:s13+$0xFFFFFFF0] =	vst v8  }
0x78: {  	v7 =	vld [tilespmem:s15+$0x30];
	[tilespmem:s13+$0x0] =	vst v3  }
0x79: {  	v9 =	vld [tilespmem:s15+$0x10];
	[tilespmem:s13+$0x20] =	vst v4  }
0x7a: {  	v8 =	vld [tilespmem:s15+$0xFFFFFFC0];
	[tilespmem:s13+$0xFFFFFFD0] =	vst v5;
	s13 =	smov.u32 s15  }
0x7b: {  	v3 =	vld.idx.msk [tilespmem:v6+s24+$0x0], $0xffff  }
0x7c: {  	v11 =	vld [tilespmem:s15+$0xFFFFFFE0]  }
0x7d: {  	v4 =	vld [tilespmem:s15+$0x20]  }
.Ltmp4:
0x7e: {  	v5 =	vld [tilespmem:s15+$0xFFFFFFD0];
	(pc) =	sbr.rel @p1 .LBB2_12-.Ltmp4, $3  }
0x7f: {  	v6 =	vld [tilespmem:s15+$0x0];
	_ =	sdelay $0x1  }
0x80: {  	v8 =	vmul.f32 v8, v3;
	v10 =	vmul.f32 v7, v3  }
0x81: {  	v9 =	vmul.f32 v9, v3;
	v7 =	vmul.f32 v11, v3  }
0x82: {  	[tilespmem:s13+$0x30] =	vst v10  }
0x83: {  	[tilespmem:s13+$0xFFFFFFC0] =	vst v8  }
0x84: {  	v2 =	vmul.f32 v2, v3;
	[tilespmem:s13+$0x10] =	vst v9  }
0x85: {  	v4 =	vmul.f32 v4, v3;
	[tilespmem:s13+$0xFFFFFFE0] =	vst v7  }
0x86: {  	v6 =	vmul.f32 v6, v3;
	[tilespmem:s13+$0xFFFFFFF0] =	vst v2  }
0x87: {  	s3 =	sadd.s32 $0x1, s3;
	v2 =	vmul.f32 v5, v3;
	[tilespmem:s13+$0x20] =	vst v4  }
0x88: {  	p1 =	sne.s32 s3, $0x19;
	[tilespmem:s13+$0x0] =	vst v6  }
.Ltmp5:
0x89: {  	s12 =	sadd.s32 $0x16000, s12;
	[tilespmem:s13+$0xFFFFFFD0] =	vst v2;
	(pc) =	sbr.rel @p1 .LBB2_11-.Ltmp5, $4  }
0x8a: {  	[spmem:s2] =	stream.indirect.scatter.add.f32 [tilespmem:s26], [sflag:$0x2], $0x80, s12, s25, $0xb8;
	[tilespmem:$0x1C080] =	vst v63  }
0x8b: {  	_ =	swait.ge [sflag:s20], $0x2800  }
0x8c: {  	[sflag:s20] =	ssyncset.done $0x0  }
0x8d: {  	s0 =	sadd.s32 $0x50, s0;
	[sflag:s20] =	ssyncadd.s32 $0xFFFFD800  }
0x8e: {  	s31 =	sadd.s32 $0x1, s31  }
0x8f: {  	p1 =	sne.s32 s31, $0x5  }
.Ltmp6:
0x90: {  	_ = 	snop;
	(pc) =	sbr.rel @p1 .LBB2_8-.Ltmp6, $1  }
0x91: {  	_ =	sdelay $0x3  }
0x92: {  	s0 =	sadd.s32 $0x0, s9  }
0x93: {  	[bflag:$0x0] =	sbarrier.arrive $0xFFFF;
	v2 =	vor.u32 s0, v1  }
0x94: {  	[tilespmem:$0x1C000] =	vst v2  }
0x95: {  	[tilespmem:s19], [sflag:$0x2] =	stream.indirect.gather [spmem:s2], $0x80, s18, s17, $0xb8;
	[tilespmem:$0x1C080] =	vst v63  }
0x96: {  	_ =	swait.ge [sflag:s20], $0x800  }
0x97: {  	[sflag:s20] =	ssyncset.done $0x0  }
0x98: {  	s0 =	rddreg [dreg:$0x7];
	[sflag:s20] =	ssyncadd.s32 $0xFFFFF800  }
0x99: {  	[hbm4b:s0+s4] =	stream.linear.scatter [tilespmem:s19], [sflag:$0x2], $0x800, $0x38;
	[tilespmem:$0x1C080] =	vst v63  }
0x9a: {  	_ =	swait.ge [sflag:s20], $0x800  }
0x9b: {  	s3 =	simm.s32 $0x20;
	s12 =	sadd.s32 $0x10, s9;
	[sflag:s20] =	ssyncset.done $0x0  }
.LBB2_16:
0x9c: {  	[sflag:s20] =	ssyncadd.s32 $0xFFFFF800  }
0x9d: {  	v2 =	vor.u32 s12, v1;
	s0 =	sadd.s32 $0x100, s0;
	s12 =	smov.u32 s3;
	s13 =	sadd.s32 $0x10, s3  }
0x9e: {  	p1 =	sne.s32 s3, $0x260;
	[tilespmem:$0x1C000] =	vst v2  }
0x9f: {  	[tilespmem:s19], [sflag:$0x2] =	stream.indirect.gather [spmem:s2], $0x80, s18, s17, $0xb8;
	[tilespmem:$0x1C080] =	vst v63  }
0xa0: {  	_ =	swait.ge [sflag:s20], $0x800  }
.Ltmp7:
0xa1: {  	[sflag:s20] =	ssyncset.done $0x0;
	(pc) =	sbr.rel @p1 .LBB2_16-.Ltmp7, $4  }
0xa2: {  	[sflag:s20] =	ssyncadd.s32 $0xFFFFF800  }
0xa3: {  	[hbm4b:s0+s4] =	stream.linear.scatter [tilespmem:s19], [sflag:$0x2], $0x800, $0x38;
	[tilespmem:$0x1C080] =	vst v63  }
0xa4: {  	_ =	swait.ge [sflag:s20], $0x800  }
0xa5: {  	s12 =	sadd.s32 s12, s9;
	s3 =	smov.u32 s13;
	[sflag:s20] =	ssyncset.done $0x0  }
0xa6: {  	v2 =	vor.u32 s12, v1;
	[sflag:s20] =	ssyncadd.s32 $0xFFFFF800  }
0xa7: {  	[tilespmem:$0x1C000] =	vst v2  }
0xa8: {  	[tilespmem:s19], [sflag:$0x2] =	stream.indirect.gather [spmem:s2], $0x80, s18, s17, $0xb8;
	[tilespmem:$0x1C080] =	vst v63  }
0xa9: {  	_ =	swait.ge [sflag:s20], $0x800  }
0xaa: {  	[sflag:s20] =	ssyncset.done $0x0  }
0xab: {  	s0 =	sadd.s32 $0x100, s0;
	[sflag:s20] =	ssyncadd.s32 $0xFFFFF800  }
0xac: {  	[hbm4b:s0+s4] =	stream.linear.scatter [tilespmem:s19], [sflag:$0x2], $0x800, $0x38;
	[tilespmem:$0x1C080] =	vst v63  }
0xad: {  	_ =	swait.ge [sflag:s20], $0x800  }
0xae: {  	v2 =	vlaneseq.u32 @!p0;
	[sflag:s20] =	ssyncset.done $0x0  }
0xaf: {  	v2 =	vor.u32 @!p0 $0x2700, v2;
	[sflag:s20] =	ssyncadd.s32 $0xFFFFF800  }
0xb0: {  	s3 =	simm.s32 @!p0 $0x1C000;
	s12 =	simm.s32 @!p0 $0x1B800;
	s0 =	simm.s32 @!p0 $0x10;
	[tilespmem:$0x1C000] =	vst @!p0 v2  }
0xb1: {  	[tilespmem:s12], [sflag:$0x2] =	stream.indirect.gather @!p0 [spmem:s2], $0x80, s3, s0, $0xb8;
	[tilespmem:$0x1C080] =	vst v63  }
0xb2: {  	s0 =	simm.s32 @!p0 $0x2  }
0xb3: {  	_ =	swait.ge @!p0 [sflag:s0], $0x800  }
0xb4: {  	[sflag:s0] =	ssyncset.done @!p0 $0x0  }
0xb5: {  	s3 =	simm.s32 @!p0 $0x0;
	s13 =	rddreg [dreg:$0x4];
	[sflag:s0] =	ssyncadd.s32 @!p0 $0xFFFFF800  }
0xb6: {  	[hbm4b:s13+s3] =	stream.linear.scatter @!p0 [tilespmem:s12], [sflag:$0x2], $0x800, $0x38;
	[tilespmem:$0x1C080] =	vst v63  }
0xb7: {  	_ =	swait.ge @!p0 [sflag:s0], $0x800  }
0xb8: {  	[sflag:s0] =	ssyncset.done @!p0 $0x0  }
0xb9: {  	s15 =	rddreg [dreg:$0x5];
	[sflag:s0] =	ssyncadd.s32 @!p0 $0xFFFFF800  }
0xba: {  	[hbm4b:s15+s4] =	stream.linear.scatter [tilespmem:s16], [sflag:$0x2], $0x2780, $0x38;
	[tilespmem:$0x1C080] =	vst v63  }
0xbb: {  	_ =	swait.ge [sflag:s20], $0x2780  }
0xbc: {  	s29 =	rddreg [dreg:$0x8]  }
0xbd: {  	s31 =	rddreg [dreg:$0x6];
	s3 =	sadd.s32 $0x1, s29  }
0xbe: {  	p1 =	sne.s32 s3, s31  }
.Ltmp8:
0xbf: {  	_ = 	snop;
	(pc) =	sbr.rel @p1 .LBB2_1-.Ltmp8, $3  }
0xc0: {  	_ =	sdelay $0x1  }
0xc1: {  	[sflag:s20] =	ssyncset.done $0x0  }
0xc2: {  	[sflag:s20] =	ssyncadd.s32 $0xFFFFD880  }
0xc3: {  	_ =	sfence.sel $0x180000  }
0xc4: {  	[bflag:$0x0] =	sbarrier.arrive $0xFFFF  }
0xc5: {  	_ =	strace $0x9000004A  }
0xc6: {  	s0 =	stileid.u32;
	[bflag:$0x2] =	sbarrier.arrive $0xFFFF  }
0xc7: {  	p0 =	sne.s32 s0, $0x0;
	s0 =	rddreg [dreg:$0x3]  }
0xc8: {  	s0 =	sadd.s32 @!p0 $0x100000, s0  }
0xc9: {  	[sflag:s0] =	ssyncadd.tile.s32 @!p0 $0x1;
	_ =	shalt  }
.Lfunc_end2:
_tile_overlayer_lowered:
.L_overlay_start_2:
0xca: {  	(tag) =	ssettag $0x2  }
0xcb: {  	s0 =	rddreg [dreg:$0x0];
	s2 =	stileid.u32  }
0xcc: {  	s1 =	rddreg [dreg:$0x1];
	p0 =	sne.s32 s2, $0x0  }
0xcd: {  	s3 =	rddreg [dreg:$0x2];
	[bflag:$0x3] =	sbarrier.arrive $0xFFFF;
	s2 =	simm.s32 @!p0 $0x1C02  }
0xce: {  	[timem:s3], [sflag:s2] =	dma.local @!p0 [hbm:s0], s1  }
0xcf: {  	s0 =	simm.s32 @!p0 $0x2  }
0xd0: {  	_ =	swait.ge @!p0 [sflag:s0], s1  }
0xd1: {  	s1 =	ssub.s32 @!p0 $0x0, s1;
	[sflag:s0] =	ssyncset.done @!p0 $0x0  }
0xd2: {  	[sflag:s0] =	ssyncadd.s32 @!p0 s1  }
0xd3: {  	[bflag:$0x3] =	sbarrier.arrive $0xFFFF  }
0xd4: {  	_ =	shalt  }

// kernel: kernel.9.cloned.1.call-start
scs
__scs_entry_jumppad:
0x0: {  	(pc) =	sbr.rel $0x88, $3  }
0x1: {  	(tag) =	ssettag $0x0;
	lr =	simm.s32 $0x1  }
0x2: {  	[smem:$0x3F9A] =	sst lr;
	_ =	strace $0xD0000000  }
0x3: {  	_ = 	snop  }
0x4: {  	_ = 	snop  }
0x5: {  	_ = 	snop  }
0x6: {  	_ = 	snop  }
0x7: {  	_ = 	snop  }
__scs_overlays_trampoline_lowered:
0x8: {  	[smem:$0x3FA9] =	sst s0  }
0x9: {  	[smem:$0x3FAA] =	sst s1  }
0xa: {  	[smem:$0x3FAB] =	sst s2  }
0xb: {  	[smem:$0x3FAC] =	sst s3  }
0xc: {  	[smem:$0x3FAD] =	sst s4  }
0xd: {  	[smem:$0x3FAE] =	sst s5  }
0xe: {  	[smem:$0x3FAF] =	sst s6  }
0xf: {  	[smem:$0x3FB0] =	sst s7  }
0x10: {  	[smem:$0x3FB1] =	sst s8  }
0x11: {  	[smem:$0x3FB2] =	sst s9;
	s0 =	simm.s32 @!p0 $0x0  }
0x12: {  	s1 =	sld [smem:$0x3F98];
	s0 =	simm.s32 @p0 $0x1  }
0x13: {  	[smem:$0x3FB3] =	sst s0;
	s0 =	simm.s32 @!p1 $0x0  }
0x14: {  	s2 =	sld [smem:$0x3F97];
	s0 =	simm.s32 @p1 $0x1  }
0x15: {  	[smem:$0x3FB4] =	sst s0;
	s0 =	simm.s32 @!p2 $0x0  }
0x16: {  	s3 =	sld [smem:$0x3FDB];
	s0 =	simm.s32 @p2 $0x1  }
0x17: {  	s4 =	simm.s32 $0x1BF5;
	[smem:$0x3FB6] =	sst s0  }
0x18: {  	s0 =	sld [smem:$0x3F99];
	_ =	swait.ge [sflag:s4], $0x0  }
0x19: {  	s7 =	sld [smem:$0x3F9A]  }
0x1a: {  	s8 =	sadd.s32 $0xFFFFE003, lr  }
0x1b: {  	s9 =	sadd.s32 $0xFFFFFEF7, lr;
	s5 =	simm.s32 $0xFFFFFFFF;
	p2 =	slt.u32 s8, $0xFFFFF086  }
0x1c: {  	p1 =	slt.u32 s9, $0xF7A;
	s5 =	simm.s32 @!p2 $0x0  }
0x1d: {  	s5 =	simm.s32 @p1 $0x1;
	p0 =	seq.s32 s7, s2  }
0x1e: {  	s7 =	smul.u32 @!p0 $0xF7A, s2;
	p2 =	seq.s32 @!p0 s5, $0x0  }
0x1f: {  	s9 =	smul.u32 $0xF7A, s1;
	s8 =	simm.s32 @!p0 $0x1BF5;
	p2 =	por !p2, p0  }
0x20: {  	[sflag:s8] =	ssyncset.s32 @!p0 $0xFFFFF086;
	s6 =	sadd.s32 @!p0 s3, s7;
	s7 =	simm.s32 @!p0 $0x108  }
0x21: {  	s3 =	sadd.s32 s3, s9;
	s6 =	sadd.s32 @!p0 $0x88, s6;
	s7 =	simm.s32 @p2 $0x1082  }
0x22: {  	[simem:s7], [sflag:s8] =	dma.local @!p0 [hbm:s6], $0xF7A  }
0x23: {  	s9 =	sor.u32 $0xD0000000, s2;
	s6 =	simm.s32 $0x108;
	_ =	swait.ge @!p0 [sflag:s8], $0x0  }
0x24: {  	s3 =	sadd.s32 $0x88, s3;
	s6 =	simm.s32 @!p1 $0x1082;
	[sflag:s4] =	ssyncset.s32 $0xFFFFF086  }
0x25: {  	[simem:s6], [sflag:s4] =	dma.local [hbm:s3], $0xF7A  }
0x26: {  	[smem:$0x3F9A] =	sst s1;
	(tag) =	ssettag s2;
	_ =	strace s9  }
0x27: {  	s1 =	sld [smem:$0x3FAA]  }
0x28: {  	s2 =	sld [smem:$0x3FAB]  }
0x29: {  	s4 =	sld [smem:$0x3FAD]  }
0x2a: {  	p0 =	seq.s32 s5, $0x0;
	s5 =	sld [smem:$0x3FAE]  }
0x2b: {  	s6 =	sld [smem:$0x3FAF]  }
0x2c: {  	s7 =	sld [smem:$0x3FB0]  }
0x2d: {  	s3 =	simm.s32 $0x108;
	s8 =	sld [smem:$0x3FB1]  }
0x2e: {  	s3 =	simm.s32 @!p0 $0x1082;
	s9 =	sld [smem:$0x3FB2]  }
0x2f: {  	lr =	sadd.s32 s0, s3;
	s0 =	sld [smem:$0x3FA9]  }
0x30: {  	s3 =	sld [smem:$0x3FAC]  }
0x31: {  	[smem:$0x3FB5] =	sst s10  }
0x32: {  	s10 =	sld [smem:$0x3FB3];
	_ =	sdelay $0x3  }
0x33: {  	p0 =	seq.s32 s10, $0x1;
	s10 =	sld [smem:$0x3FB5];
	_ =	sdelay $0x3  }
0x34: {  	[smem:$0x3FB5] =	sst s10  }
0x35: {  	s10 =	sld [smem:$0x3FB4];
	_ =	sdelay $0x3  }
0x36: {  	p1 =	seq.s32 s10, $0x1;
	s10 =	sld [smem:$0x3FB5];
	_ =	sdelay $0x3  }
0x37: {  	[smem:$0x3FB5] =	sst s10  }
0x38: {  	s10 =	sld [smem:$0x3FB6]  }
0x39: {  	_ = 	snop;
	(pc) =	sbr.ind lr, $3  }
0x3a: {  	_ = 	snop  }
0x3b: {  	_ = 	snop  }
0x3c: {  	p2 =	seq.s32 s10, $0x1;
	s10 =	sld [smem:$0x3FB5]  }
0x3d: {  	_ =	shalt  }
0x3e: {  	_ =	shalt  }
0x3f: {  	_ =	shalt  }
0x40: {  	_ =	shalt  }
0x41: {  	_ =	shalt  }
0x42: {  	_ =	shalt  }
0x43: {  	_ =	shalt  }
0x44: {  	_ =	shalt  }
0x45: {  	_ =	shalt  }
0x46: {  	_ =	shalt  }
0x47: {  	_ =	shalt  }
0x48: {  	_ =	shalt  }
0x49: {  	_ =	shalt  }
0x4a: {  	_ =	shalt  }
0x4b: {  	_ =	shalt  }
0x4c: {  	_ =	shalt  }
0x4d: {  	_ =	shalt  }
0x4e: {  	_ =	shalt  }
0x4f: {  	_ =	shalt  }
0x50: {  	_ =	shalt  }
0x51: {  	_ =	shalt  }
0x52: {  	_ =	shalt  }
0x53: {  	_ =	shalt  }
0x54: {  	_ =	shalt  }
0x55: {  	_ =	shalt  }
0x56: {  	_ =	shalt  }
0x57: {  	_ =	shalt  }
0x58: {  	_ =	shalt  }
0x59: {  	_ =	shalt  }
0x5a: {  	_ =	shalt  }
0x5b: {  	_ =	shalt  }
0x5c: {  	_ =	shalt  }
0x5d: {  	_ =	shalt  }
0x5e: {  	_ =	shalt  }
0x5f: {  	_ =	shalt  }
0x60: {  	_ =	shalt  }
0x61: {  	_ =	shalt  }
0x62: {  	_ =	shalt  }
0x63: {  	_ =	shalt  }
0x64: {  	_ =	shalt  }
0x65: {  	_ =	shalt  }
0x66: {  	_ =	shalt  }
0x67: {  	_ =	shalt  }
0x68: {  	_ =	shalt  }
0x69: {  	_ =	shalt  }
0x6a: {  	_ =	shalt  }
0x6b: {  	_ =	shalt  }
0x6c: {  	_ =	shalt  }
0x6d: {  	_ =	shalt  }
0x6e: {  	_ =	shalt  }
0x6f: {  	_ =	shalt  }
0x70: {  	_ =	shalt  }
0x71: {  	_ =	shalt  }
0x72: {  	_ =	shalt  }
0x73: {  	_ =	shalt  }
0x74: {  	_ =	shalt  }
0x75: {  	_ =	shalt  }
0x76: {  	_ =	shalt  }
0x77: {  	_ =	shalt  }
0x78: {  	_ =	shalt  }
0x79: {  	_ =	shalt  }
0x7a: {  	_ =	shalt  }
0x7b: {  	_ =	shalt  }
0x7c: {  	_ =	shalt  }
0x7d: {  	_ =	shalt  }
0x7e: {  	_ =	shalt  }
0x7f: {  	_ =	shalt  }
0x80: {  	_ =	shalt  }
0x81: {  	_ =	shalt  }
0x82: {  	_ =	shalt  }
0x83: {  	_ =	shalt  }
0x84: {  	_ =	shalt  }
0x85: {  	_ =	shalt  }
0x86: {  	_ =	shalt  }
0x87: {  	_ =	shalt  }
.Lfunc_end0:
.L_simem_size_0:
called_computation_lowered:
.L_overlay_start_0:
0x88: {  	s2 =	sld [smem:$0x3FD9]  }
0x89: {  	s3 =	sld [smem:$0x3FFE];
	_ =	sdelay $0x1  }
0x8a: {  	s1 =	srdreg.scid  }
0x8b: {  	s0 =	sand.u32 $0x1, s1  }
0x8c: {  	s16 =	sshll.u32 s0, $0xA;
	s2 =	sadd.s32 s3, s2  }
0x8d: {  	s2 =	sadd.s32 s2, s16  }
0x8e: {  	[smem:$0x3FC1] =	sst s2  }
0x8f: {  	_ = 	snop  }
0x90: {  	(tm) =	ssettm $0x1  }
0x91: {  	s17 =	sld [smem:$0x3FFB];
	_ =	sdelay $0x3  }
0x92: {  	_ =	strace s17  }
0x93: {  	s2 =	sld [smem:$0x3FFC];
	_ =	sdelay $0x3  }
0x94: {  	_ =	strace s2  }
0x95: {  	s2 =	sld [smem:$0x3FFD];
	_ =	sdelay $0x3  }
0x96: {  	_ =	strace s2  }
0x97: {  	_ =	strace $0x8FFFFFFF  }
0x98: {  	s18 =	sld [smem:$0x3FDB];
	_ =	sdelay $0x1  }
0x99: {  	s19 =	simm.s32 $_scs_section_size  }
0x9a: {  	s4 =	simm.s32 $_size__tile_overlayer_lowered;
	s5 =	simm.s32 $_tile_overlayer_lowered  }
0x9b: {  	s22 =	simm.s32 $0x1BFF;
	s21 =	sshll.u32 s5, $0x1;
	s2 =	sadd.s32 s19, s18  }
0x9c: {  	s6 =	simm.s32 $0x0;
	s20 =	sshll.u32 s4, $0x1;
	s4 =	sadd.s32 s21, s2  }
0x9d: {  	[timem:s6], [sflag:s22] =	dma.local [hbm:s4], s20  }
0x9e: {  	_ =	swait.ge [sflag:s22], s20  }
0x9f: {  	s3 =	ssub.s32 $0x0, s20;
	[sflag:s22] =	ssyncset.done $0x0  }
0xa0: {  	[sflag:s22] =	ssyncadd.s32 s3;
	_ =	sdelay $0x1  }
0xa1: {  	s23 =	simm.s32 $0x1B8B  }
0xa2: {  	_ =	swait.ge [sflag:s23], $0x1  }
0xa3: {  	[sflag:s23] =	ssyncset.done $0x0  }
0xa4: {  	s25 =	simm.s32 $0x1B8E;
	s24 =	sld [smem:$0x3FFE];
	[sflag:s23] =	ssyncadd.s32 $0xFFFFFFFF  }
0xa5: {  	s26 =	simm.s32 $execute0_lowered;
	[smem:$0x3FD2] =	sst s25  }
0xa6: {  	s4 =	sshll.u32 s26, $0x1;
	_ =	strace $0x80000046;
	[dreg:$0x1] =	wrdreg $0xFFFFFFFF  }
0xa7: {  	s28 =	simm.s32 $_size_execute0_lowered;
	s2 =	sadd.s32 s2, s4;
	[dreg:$0x0] =	wrdreg $0x0  }
0xa8: {  	s4 =	sshll.u32 s28, $0x1;
	[dreg:$0x2] =	wrdreg s2  }
0xa9: {  	[dreg:$0x3] =	wrdreg s4  }
0xaa: {  	[dreg:$0x4] =	wrdreg $0xC0  }
0xab: {  	_ =	task [dreg:s6], $0x5FFFF  }
0xac: {  	[dreg:$0x1] =	wrdreg $0xFFFFFFFF  }
0xad: {  	[dreg:$0x0] =	wrdreg $0x60  }
0xae: {  	[dreg:$0x2] =	wrdreg s24  }
0xaf: {  	[dreg:$0x3] =	wrdreg $0x9  }
0xb0: {  	_ =	task.clear_ibuf [dreg:s6], $0x4FFFF;
	_ =	strace $0x90000046  }
0xb1: {  	s29 =	simm.s32 $0x9;
	_ =	strace $0x80000048  }
0xb2: {  	_ =	swait.ge [sflag:s29], $0x1  }
0xb3: {  	[sflag:s29] =	ssyncadd.s32 $0xFFFFFFFF  }
0xb4: {  	_ =	strace $0x90000048  }
0xb5: {  	_ =	sfence  }
0xb6: {  	s30 =	sld [smem:$0x0];
	_ =	sdelay $0x2  }
0xb7: {  	s31 =	sshll.u32 s1, $0xD;
	s1 =	sshrl.u32 s1, $0x2  }
0xb8: {  	s3 =	sand.u32 $0x4000, s31;
	s1 =	sadd.s32 s1, s30  }
0xb9: {  	s0 =	sor.u32 s3, s0;
	s1 =	sshll.u32 s1, $0x11  }
0xba: {  	s0 =	sor.u32 s1, s0  }
0xbb: {  	s0 =	sadd.s32 $0x8F2B, s0  }
0xbc: {  	[sflag:s0] =	ssyncadd.remote.s32 $0x1  }
0xbd: {  	_ =	sfence.sel $0xFFFF  }
0xbe: {  	[dreg:$0x0] =	wrdreg $0xFFFFFFFF;
	(pc) =	sbr.abs _section_cstart, $3  }
0xbf: {  	[dreg:$0x1] =	wrdreg $0xFFFFFFFF  }
0xc0: {  	_ =	task.clear_ibuf [dreg:s6], $0x2FFFF;
	_ =	strace $0x9FFFFFFF  }
0xc1: {  	(tm) =	ssettm $0x7FFFFFFF  }
tec
execute0_lowered:
.L_overlay_start_1:
0x0: {  	(tag) =	ssettag $0x1  }
0x1: {  	s0 =	rddreg [dreg:$0x0];
	s1 =	simm.s32 $0x0;
	s4 =	srdreg.scid  }
0x2: {  	s8 =	stileid.u32;
	s19 =	simm.s32 $0x1;
	s20 =	simm.s32 $0x2780  }
0x3: {  	s26 =	simm.s32 $0x3EF0;
	s28 =	simm.s32 $0x1F40;
	s29 =	simm.s32 $0x46C0  }
0x4: {  	s30 =	simm.s32 $0x4F00;
	s31 =	simm.s32 $0x5700;
	s21 =	simm.s32 $0x0  }
0x5: {  	s25 =	simm.s32 $0x0;
	[smem:$0x7FF] =	sst s1;
	s2 =	sadd.s32 $0x14A00, s0  }
0x6: {  	s3 =	sadd.s32 $0x1EA00, s0;
	s5 =	sadd.s32 $0x28A00, s0;
	s6 =	sadd.s32 $0x32A00, s0  }
0x7: {  	s4 =	sand.u32 $0x1, s4;
	s7 =	sadd.s32 $0x33000, s0;
	s11 =	sadd.s32 $0x32AFA, s0  }
0x8: {  	s12 =	sadd.s32 $0x330FA, s0;
	s13 =	sadd.s32 $0x32BF4, s0;
	s14 =	sadd.s32 $0x331F4, s0  }
0x9: {  	s15 =	sadd.s32 $0x32CEE, s0;
	s16 =	sadd.s32 $0x332EE, s0;
	s17 =	sadd.s32 $0x32DE8, s0  }
0xa: {  	s18 =	sadd.s32 $0x333E8, s0;
	s9 =	ssub.s32 $0x2, s4;
	s4 =	sshll.u32 s4, $0x4  }
0xb: {  	_ =	strace $0x80000047;
	s10 =	sshrl.u32 s9, $0x1;
	s4 =	sor.u32 s8, s4  }
0xc: {  	s8 =	sadd.s32 $0x33600, s0;
	s0 =	simm.s32 $0x5F00;
	s10 =	ssub.s32 s9, s10  }
0xd: {  	v0 =	vlaneseq.u32;
	s9 =	smul.u32 $0x2800, s4;
	s4 =	simm.s32 $0x6700;
	s10 =	smax.u32 s10, $0x1  }
.LBB2_1:
0xe: {  	[tilespmem:s1], [sflag:$0x1] =	stream.linear.gather [hbm4b:s6+s1], $0x7D0, $0x38;
	[tilespmem:$0x6F00] =	vst v63  }
0xf: {  	_ =	swait.ge [sflag:s19], $0x7D0  }
0x10: {  	[sflag:s19] =	ssyncset.done $0x0  }
0x11: {  	[sflag:s19] =	ssyncadd.s32 $0xFFFFF830  }
0x12: {  	[tilespmem:s20], [sflag:$0x1] =	stream.linear.gather [hbm4b:s7+s1], $0x7D0, $0x38;
	[tilespmem:$0x6F00] =	vst v63  }
0x13: {  	_ =	swait.ge [sflag:s19], $0x7D0  }
0x14: {  	[sflag:s19] =	ssyncset.done $0x0  }
0x15: {  	s22 =	simm.s32 $0x7D0;
	[sflag:s19] =	ssyncadd.s32 $0xFFFFF830  }
0x16: {  	[tilespmem:s22], [sflag:$0x1] =	stream.linear.gather [hbm4b:s11+s1], $0x7D0, $0x38;
	[tilespmem:$0x6F00] =	vst v63  }
0x17: {  	_ =	swait.ge [sflag:s19], $0x7D0  }
0x18: {  	[sflag:s19] =	ssyncset.done $0x0  }
0x19: {  	s23 =	simm.s32 $0x2F50;
	[sflag:s19] =	ssyncadd.s32 $0xFFFFF830  }
0x1a: {  	[tilespmem:s23], [sflag:$0x1] =	stream.linear.gather [hbm4b:s12+s1], $0x7D0, $0x38;
	[tilespmem:$0x6F00] =	vst v63  }
0x1b: {  	_ =	swait.ge [sflag:s19], $0x7D0  }
0x1c: {  	[sflag:s19] =	ssyncset.done $0x0  }
0x1d: {  	s24 =	simm.s32 $0xFA0;
	[sflag:s19] =	ssyncadd.s32 $0xFFFFF830  }
0x1e: {  	[tilespmem:s24], [sflag:$0x1] =	stream.linear.gather [hbm4b:s13+s1], $0x7D0, $0x38;
	[tilespmem:$0x6F00] =	vst v63  }
0x1f: {  	_ =	swait.ge [sflag:s19], $0x7D0  }
0x20: {  	[sflag:s19] =	ssyncset.done $0x0  }
0x21: {  	s23 =	simm.s32 $0x3720;
	[sflag:s19] =	ssyncadd.s32 $0xFFFFF830  }
0x22: {  	[tilespmem:s23], [sflag:$0x1] =	stream.linear.gather [hbm4b:s14+s1], $0x7D0, $0x38;
	[tilespmem:$0x6F00] =	vst v63  }
0x23: {  	_ =	swait.ge [sflag:s19], $0x7D0  }
0x24: {  	[sflag:s19] =	ssyncset.done $0x0  }
0x25: {  	s24 =	simm.s32 $0x1770;
	[sflag:s19] =	ssyncadd.s32 $0xFFFFF830  }
0x26: {  	[tilespmem:s24], [sflag:$0x1] =	stream.linear.gather [hbm4b:s15+s1], $0x7D0, $0x38;
	[tilespmem:$0x6F00] =	vst v63  }
0x27: {  	_ =	swait.ge [sflag:s19], $0x7D0  }
0x28: {  	[sflag:s19] =	ssyncset.done $0x0  }
0x29: {  	[sflag:s19] =	ssyncadd.s32 $0xFFFFF830  }
0x2a: {  	[tilespmem:s26], [sflag:$0x1] =	stream.linear.gather [hbm4b:s16+s1], $0x7D0, $0x38;
	[tilespmem:$0x6F00] =	vst v63  }
0x2b: {  	_ =	swait.ge [sflag:s19], $0x7D0  }
0x2c: {  	[sflag:s19] =	ssyncset.done $0x0  }
0x2d: {  	[sflag:s19] =	ssyncadd.s32 $0xFFFFF830  }
0x2e: {  	[tilespmem:s28], [sflag:$0x1] =	stream.linear.gather [hbm4b:s17+s1], $0x7D0, $0x38;
	[tilespmem:$0x6F00] =	vst v63  }
0x2f: {  	_ =	swait.ge [sflag:s19], $0x7D0  }
0x30: {  	[sflag:s19] =	ssyncset.done $0x0  }
0x31: {  	[sflag:s19] =	ssyncadd.s32 $0xFFFFF830  }
0x32: {  	[tilespmem:s29], [sflag:$0x1] =	stream.linear.gather [hbm4b:s18+s1], $0x7D0, $0x38;
	[tilespmem:$0x6F00] =	vst v63  }
0x33: {  	_ =	swait.ge [sflag:s19], $0x7D0  }
0x34: {  	[sflag:s19] =	ssyncset.done $0x0  }
0x35: {  	s22 =	simm.s32 $0x0;
	[sflag:s19] =	ssyncadd.s32 $0xFFFFF830  }
.LBB2_2:
0x36: {  	s23 =	sshll.u32 s22, $0xB  }
0x37: {  	s23 =	sadd.s32 s9, s23  }
0x38: {  	s23 =	sshrl.u32 s23, $0x3  }
0x39: {  	s24 =	sadd.s32 s2, s23  }
0x3a: {  	[tilespmem:s30], [sflag:$0x1] =	stream.linear.gather [hbm4b:s24+s25], $0x800, $0x38;
	[tilespmem:$0x6F00] =	vst v63  }
0x3b: {  	_ =	swait.ge [sflag:s19], $0x800  }
0x3c: {  	[sflag:s19] =	ssyncset.done $0x0  }
0x3d: {  	s24 =	sadd.s32 s3, s23;
	[sflag:s19] =	ssyncadd.s32 $0xFFFFF800  }
0x3e: {  	[tilespmem:s31], [sflag:$0x1] =	stream.linear.gather [hbm4b:s24+s25], $0x800, $0x38;
	[tilespmem:$0x6F00] =	vst v63  }
0x3f: {  	_ =	swait.ge [sflag:s19], $0x800  }
0x40: {  	[sflag:s19] =	ssyncset.done $0x0  }
0x41: {  	v1 =	vor.u32 s25, v0;
	s24 =	sadd.s32 s5, s23;
	[sflag:s19] =	ssyncadd.s32 $0xFFFFF800  }
0x42: {  	[tilespmem:s0], [sflag:$0x1] =	stream.linear.gather [hbm4b:s24+s25], $0x800, $0x38;
	[tilespmem:$0x6F00] =	vst v63  }
0x43: {  	_ =	swait.ge [sflag:s19], $0x800  }
0x44: {  	[sflag:s19] =	ssyncset.done $0x0  }
0x45: {  	[sflag:s19] =	ssyncadd.s32 $0xFFFFF800  }
0x46: {  	v2 =	vld.idx.msk [tilespmem:v1+s31+$0x0], $0xffff  }
0x47: {  	v3 =	vld.idx.msk [tilespmem:v1+s30+$0x0], $0xffff;
	_ =	sdelay $0x6  }
0x48: {  	v2 =	vld.idx.msk [tilespmem:v2+s20+$0x0], $0xffff  }
0x49: {  	v3 =	vld.idx.msk [tilespmem:v3+s1+$0x0], $0xffff;
	_ =	sdelay $0x1  }
0x4a: {  	v4 =	vld.idx.msk [tilespmem:v1+s0+$0x0], $0xffff;
	_ =	sdelay $0x2  }
0x4b: {  	v2 =	vadd.f32 v2, v3;
	_ =	sdelay $0x1  }
0x4c: {  	v3 =	vadd.f32 v4, v2  }
0x4d: {  	s24 =	simm.s32 $0x10  }
0x4e: {  	v2 =	vor.u32 s24, v0;
	s24 =	simm.s32 $0x20;
	v4 =	vmul.f32 $2.000000030e-01, v3  }
.LBB2_3:
0x4f: {  	p0 =	sne.s32 s24, $0x7C0;
	vm0 =	vge.f32 v3, $0.0e+00  }
0x50: {  	v3 =	vsel vm0, v3, v4  }
0x51: {  	[tilespmem:v1+s4+$0x0] =	vst.idx.msk $0xffff, v3;
	v1 =	vmov v2  }
0x52: {  	v3 =	vld.idx.msk [tilespmem:v2+s31+$0x0], $0xffff  }
0x53: {  	v2 =	vld.idx.msk [tilespmem:v2+s30+$0x0], $0xffff;
	_ =	sdelay $0x6  }
0x54: {  	v3 =	vld.idx.msk [tilespmem:v3+s20+$0x0], $0xffff  }
0x55: {  	v2 =	vld.idx.msk [tilespmem:v2+s1+$0x0], $0xffff;
	_ =	sdelay $0x1  }
0x56: {  	v4 =	vld.idx.msk [tilespmem:v1+s0+$0x0], $0xffff;
	_ =	sdelay $0x3  }
.Ltmp0:
0x57: {  	v2 =	vadd.f32 v3, v2;
	(pc) =	sbr.rel @p0 .LBB2_3-.Ltmp0, $4  }
0x58: {  	_ = 	snop  }
0x59: {  	v3 =	vadd.f32 v4, v2  }
0x5a: {  	v2 =	vor.u32 s24, v0  }
0x5b: {  	s24 =	sadd.s32 $0x10, s24;
	v4 =	vmul.f32 $2.000000030e-01, v3  }
0x5c: {  	_ =	sdelay $0x1  }
0x5d: {  	vm0 =	vge.f32 v3, $0.0e+00  }
0x5e: {  	v3 =	vsel vm0, v3, v4  }
0x5f: {  	[tilespmem:v1+s4+$0x0] =	vst.idx.msk $0xffff, v3  }
0x60: {  	v1 =	vld.idx.msk [tilespmem:v2+s31+$0x0], $0xffff  }
0x61: {  	v3 =	vld.idx.msk [tilespmem:v2+s30+$0x0], $0xffff;
	_ =	sdelay $0x6  }
0x62: {  	v1 =	vld.idx.msk [tilespmem:v1+s20+$0x0], $0xffff  }
0x63: {  	v3 =	vld.idx.msk [tilespmem:v3+s1+$0x0], $0xffff;
	_ =	sdelay $0x1  }
0x64: {  	v63 =	vld.idx.msk [tilespmem:v2+s0+$0x0], $0xffff;
	_ =	sdelay $0x2  }
0x65: {  	v1 =	vadd.f32 v1, v3;
	_ =	sdelay $0x1  }
0x66: {  	v1 =	vadd.f32 v63, v1;
	_ =	sdelay $0x1  }
0x67: {  	v3 =	vmul.f32 $2.000000030e-01, v1  }
0x68: {  	s22 =	sadd.s32 $0x1, s22;
	vm15 =	vge.f32 v1, $0.0e+00  }
0x69: {  	p0 =	sne.s32 s22, $0x5;
	v1 =	vsel vm15, v1, v3  }
.Ltmp1:
0x6a: {  	s23 =	sadd.s32 s8, s23;
	[tilespmem:v2+s4+$0x0] =	vst.idx.msk $0xffff, v1;
	(pc) =	sbr.rel @p0 .LBB2_2-.Ltmp1, $4  }
0x6b: {  	[hbm4b:s23+s1] =	stream.linear.scatter [tilespmem:s4], [sflag:$0x1], $0x800, $0x38;
	[tilespmem:$0x6F00] =	vst v63  }
0x6c: {  	_ =	swait.ge [sflag:s19], $0x800  }
0x6d: {  	[sflag:s19] =	ssyncset.done $0x0  }
0x6e: {  	[sflag:s19] =	ssyncadd.s32 $0xFFFFF800  }
0x6f: {  	s21 =	sadd.s32 $0x1, s21  }
0x70: {  	p0 =	sne.s32 s21, s10  }
.Ltmp2:
0x71: {  	_ = 	snop;
	(pc) =	sbr.rel @p0 .LBB2_1-.Ltmp2, $1  }
0x72: {  	_ =	sdelay $0x3  }
0x73: {  	_ =	sfence.sel $0x180000  }
0x74: {  	[bflag:$0x0] =	sbarrier.arrive $0xFFFF  }
0x75: {  	_ =	strace $0x90000047  }
0x76: {  	s0 =	stileid.u32;
	[bflag:$0x2] =	sbarrier.arrive $0xFFFF  }
0x77: {  	p0 =	sne.s32 s0, $0x0;
	s0 =	rddreg [dreg:$0x1]  }
0x78: {  	s0 =	sadd.s32 @!p0 $0x100000, s0  }
0x79: {  	[sflag:s0] =	ssyncadd.tile.s32 @!p0 $0x1;
	_ =	shalt  }
.Lfunc_end2:
_tile_overlayer_lowered:
.L_overlay_start_2:
0x7a: {  	(tag) =	ssettag $0x2  }
0x7b: {  	s0 =	rddreg [dreg:$0x0];
	s2 =	stileid.u32  }
0x7c: {  	s1 =	rddreg [dreg:$0x1];
	p0 =	sne.s32 s2, $0x0  }
0x7d: {  	s3 =	rddreg [dreg:$0x2];
	[bflag:$0x3] =	sbarrier.arrive $0xFFFF;
	s2 =	simm.s32 @!p0 $0x1C01  }
0x7e: {  	[timem:s3], [sflag:s2] =	dma.local @!p0 [hbm:s0], s1  }
0x7f: {  	s0 =	simm.s32 @!p0 $0x1  }
0x80: {  	_ =	swait.ge @!p0 [sflag:s0], s1  }
0x81: {  	s1 =	ssub.s32 @!p0 $0x0, s1;
	[sflag:s0] =	ssyncset.done @!p0 $0x0  }
0x82: {  	[sflag:s0] =	ssyncadd.s32 @!p0 s1  }
0x83: {  	[bflag:$0x3] =	sbarrier.arrive $0xFFFF  }
0x84: {  	_ =	shalt  }

</sc_bundles>
